<compile_context>
chip_gen: v7x
topology: tpu7x:2x2x1
jax: 0.10.2.dev20260603
libtpu: 0.0.44.dev20260713+nightly
codegen_flags: <defaults>
</compile_context>

<pallas_src>
import functools

import jax
import jax.numpy as jnp
from jax import lax
from jax.experimental import pallas as pl
from jax.experimental.pallas import tpu as pltpu
from jax.experimental.pallas import tpu_sc as plsc

D = 32
HIST = 50
CB = 128
CPH = 4
NBUF = 8
NW = 32


@functools.partial(jax.jit, static_argnames=("batch",))
def _sc_gather_t(idx, table, batch):
    rows_per_w = batch // NW
    nunits = HIST * CPH
    ngroups = nunits // NBUF
    mesh = plsc.VectorSubcoreMesh(core_axis_name="c", subcore_axis_name="s")

    @functools.partial(
        pl.kernel,
        mesh=mesh,
        out_type=jax.ShapeDtypeStruct((HIST, batch, D), jnp.float32),
        scratch_types=[
            pltpu.VMEM((rows_per_w, HIST), jnp.int32),
            pltpu.VMEM((HIST * rows_per_w,), jnp.int32),
            pltpu.VMEM((NBUF, CB, D), jnp.float32),
            [pltpu.SemaphoreType.DMA] * NBUF,
            [pltpu.SemaphoreType.DMA] * NBUF,
        ],
        compiler_params=pltpu.CompilerParams(
            use_tc_tiling_on_sc=False, needs_layout_passes=False
        ),
    )
    def k(idx_hbm, table_hbm, out_hbm, idx_v, idx_t, gbuf, gsems, wsems):
        wid = lax.axis_index("s") * 2 + lax.axis_index("c")
        base = wid * rows_per_w
        iota = lax.iota(jnp.int32, 16)

        pltpu.sync_copy(idx_hbm.at[pl.ds(base, rows_per_w)], idx_v)

        def trow(r, carry):
            for o in (0, 16, 32, 34):
                vals = idx_v[r, pl.ds(o, 16)]
                dst = (o + iota) * rows_per_w + r
                plsc.store_scatter(idx_t, [dst], vals)
            return carry

        lax.fori_loop(0, rows_per_w, trow, 0)

        def start_gather(u, s):
            pltpu.async_copy(
                table_hbm.at[idx_t.at[pl.ds(u * CB, CB)]], gbuf.at[s], gsems[s]
            )

        def wait_gather(s):
            pltpu.make_async_copy(
                table_hbm.at[pl.ds(0, CB)], gbuf.at[s], gsems[s]
            ).wait()

        def start_write(h, c, s):
            pltpu.async_copy(
                gbuf.at[s],
                out_hbm.at[h, pl.ds(base + c * CB, CB), :],
                wsems[s],
            )

        def wait_write(s):
            pltpu.make_async_copy(
                gbuf.at[s], out_hbm.at[0, pl.ds(base, CB), :], wsems[s]
            ).wait()

        for s in range(NBUF):
            start_gather(s, s)

        def body(g, carry):
            for s in range(NBUF):
                h = 2 * g + s // CPH
                c = s % CPH
                wait_gather(s)
                start_write(h, c, s)

                @pl.when(g < ngroups - 1)
                def _():
                    wait_write(s)
                    start_gather(NBUF * (g + 1) + s, s)

            return carry

        lax.fori_loop(0, ngroups, body, 0)
        for s in range(NBUF):
            wait_write(s)

    return k(idx, table)


def kernel(inputs, embeddings):
    batch, _ = inputs.shape
    out_t = _sc_gather_t(inputs.astype(jnp.int32), embeddings, batch)
    return jnp.transpose(out_t, (1, 0, 2))

# --- scband reference (transcript-rebuilt; emitter-appended) ---
"""Pipeline reference for scband-embedding-48163763257590 (READ-ONLY COPY).

The authoritative reference and input builder live on the scoring server;
editing this copy changes nothing except your own understanding.
"""

import jax, jax.numpy as jnp
import numpy as np

VOCAB = 1000000
EMBED_DIM = 32
BATCH = 16384
HIST = 50

def setup_inputs(seed: int = 0) -> dict:
    key = jax.random.key(seed)
    k_idx, k_tab = jax.random.split(key)
    inputs = jax.random.randint(k_idx, (BATCH, HIST), 0, VOCAB, dtype=jnp.int64 if jax.config.jax_enable_x64 else jnp.int32).astype(jnp.int32)
    # keras 'uniform' initializer: U(-0.05, 0.05)
    embeddings = jax.random.uniform(k_tab, (VOCAB, EMBED_DIM), dtype=jnp.float32, minval=-0.05, maxval=0.05)
    return {"inputs": inputs, "embeddings": embeddings}

def reference(inputs, embeddings):
    # keras Embedding.call: cast indices to int32, then embedding_lookup (gather rows)
    idx = inputs.astype(jnp.int32)
    out = jnp.take(embeddings, idx, axis=0)  # [B, L, D]
    return out

if __name__ == "__main__":
    import jax
    _d = setup_inputs()
    print(jax.jit(kernel)(*tuple(_d.values())))

</pallas_src>

<mosaic_0001>
#map = affine_map<(d0, d1) -> (0, 0)>
#map1 = affine_map<(d0, d1) -> (0, 0, 0)>
module attributes {stable_mosaic.version = 14 : i64} {
  func.func @k(%arg0: i32, %arg1: i32, %arg2: memref<16384x50xi32, #tpu.memory_space<hbm>>, %arg3: memref<1000000x32xf32, #tpu.memory_space<hbm>>, %arg4: memref<50x16384x32xf32, #tpu.memory_space<hbm>>, %arg5: memref<512x50xi32, #tpu.memory_space<vmem>>, %arg6: memref<25600xi32, #tpu.memory_space<vmem>>, %arg7: memref<8x128x32xf32, #tpu.memory_space<vmem>>, %arg8: memref<!tpu.dma_semaphore, #tpu.memory_space<semaphore_mem>>, %arg9: memref<!tpu.dma_semaphore, #tpu.memory_space<semaphore_mem>>, %arg10: memref<!tpu.dma_semaphore, #tpu.memory_space<semaphore_mem>>, %arg11: memref<!tpu.dma_semaphore, #tpu.memory_space<semaphore_mem>>, %arg12: memref<!tpu.dma_semaphore, #tpu.memory_space<semaphore_mem>>, %arg13: memref<!tpu.dma_semaphore, #tpu.memory_space<semaphore_mem>>, %arg14: memref<!tpu.dma_semaphore, #tpu.memory_space<semaphore_mem>>, %arg15: memref<!tpu.dma_semaphore, #tpu.memory_space<semaphore_mem>>, %arg16: memref<!tpu.dma_semaphore, #tpu.memory_space<semaphore_mem>>, %arg17: memref<!tpu.dma_semaphore, #tpu.memory_space<semaphore_mem>>, %arg18: memref<!tpu.dma_semaphore, #tpu.memory_space<semaphore_mem>>, %arg19: memref<!tpu.dma_semaphore, #tpu.memory_space<semaphore_mem>>, %arg20: memref<!tpu.dma_semaphore, #tpu.memory_space<semaphore_mem>>, %arg21: memref<!tpu.dma_semaphore, #tpu.memory_space<semaphore_mem>>, %arg22: memref<!tpu.dma_semaphore, #tpu.memory_space<semaphore_mem>>, %arg23: memref<!tpu.dma_semaphore, #tpu.memory_space<semaphore_mem>>) attributes {dimension_semantics = [#tpu.dimension_semantics<core_parallel>, #tpu.dimension_semantics<subcore_parallel>], iteration_bounds = array<i64: 2, 16>, scalar_prefetch = 0 : i64, scratch_operands = 19 : i64, tpu.core_type = #tpu.core_type<sc_vector_subcore>, window_params = [{transform_indices = #map}, {transform_indices = #map}, {transform_indices = #map1}]} {
    %mul3A = arith.constant 2 : i32
    %mul3A_0 = arith.muli %arg1, %mul3A : i32
    %add3A = arith.addi %mul3A_0, %arg0 : i32
    %mul3A_1 = arith.constant 512 : i32
    %mul3A_2 = arith.muli %add3A, %mul3A_1 : i32
    %iota3A = tpu.iota {dimensions = array<i32: 0>} : vector<16xi32>
    "tpu.region"() ({
      %run_scoped3A = tpu.sem_alloc : memref<!tpu.dma_semaphore, #tpu.memory_space<semaphore_mem>>
      %dma_start3A_220 = arith.constant 0 : i32
      %dma_start3A_221 = tpu.memref_slice %arg2[%mul3A_2, %dma_start3A_220] : memref<16384x50xi32, #tpu.memory_space<hbm>> -> memref<512x50xi32, #tpu.memory_space<hbm>>
      %dma_start3A_222 = arith.constant 0 : i32
      %dma_start3A_223 = tpu.memref_slice %arg2[%mul3A_2, %dma_start3A_222] : memref<16384x50xi32, #tpu.memory_space<hbm>> -> memref<512x50xi32, #tpu.memory_space<hbm>>
      tpu.enqueue_dma source(%dma_start3A_223 : memref<512x50xi32, #tpu.memory_space<hbm>>) target(%arg5 : memref<512x50xi32, #tpu.memory_space<vmem>>) target_semaphore(%run_scoped3A : memref<!tpu.dma_semaphore, #tpu.memory_space<semaphore_mem>>)
      %dma_wait3A_224 = arith.constant 0 : i32
      %dma_wait3A_225 = tpu.memref_slice %arg2[%mul3A_2, %dma_wait3A_224] : memref<16384x50xi32, #tpu.memory_space<hbm>> -> memref<512x50xi32, #tpu.memory_space<hbm>>
      %dma_wait3A_226 = arith.constant 0 : i32
      %dma_wait3A_227 = tpu.memref_slice %arg2[%mul3A_2, %dma_wait3A_226] : memref<16384x50xi32, #tpu.memory_space<hbm>> -> memref<512x50xi32, #tpu.memory_space<hbm>>
      tpu.wait_dma2 semaphore(%run_scoped3A : memref<!tpu.dma_semaphore, #tpu.memory_space<semaphore_mem>>) src(%dma_wait3A_227 : memref<512x50xi32, #tpu.memory_space<hbm>>) dst(%arg5 : memref<512x50xi32, #tpu.memory_space<vmem>>)
      tpu.yield
    }) : () -> ()
    %scan3A = arith.constant 0 : i32
    %scan3A_3 = arith.constant 0 : i32
    %scan3A_4 = arith.constant 512 : i32
    %scan3A_5 = arith.addi %scan3A_3, %scan3A_4 : i32
    %scan3A_6 = arith.constant 1 : i32
    scf.for %scan3A_220 = %scan3A_3 to %scan3A_5 step %scan3A_6  : i32 {
      %get3A = arith.index_cast %scan3A_220 : i32 to index
      %get3A_221 = arith.constant 0 : index
      %get3A_222 = tpu.vector_load %arg5[%get3A, %get3A_221] {strides = array<i32>} : memref<512x50xi32, #tpu.memory_space<vmem>>, vector<16xi32>,
      %add3A_223 = arith.constant 0 : i32
      %add3A_224 = vector.broadcast %add3A_223 : i32 to vector<16xi32>
      %add3A_225 = arith.addi %add3A_224, %iota3A : vector<16xi32>
      %mul3A_226 = arith.constant 512 : i32
      %mul3A_227 = vector.broadcast %mul3A_226 : i32 to vector<16xi32>
      %mul3A_228 = arith.muli %add3A_225, %mul3A_227 : vector<16xi32>
      %add3A_229 = vector.broadcast %scan3A_220 : i32 to vector<16xi32>
      %add3A_230 = arith.addi %mul3A_228, %add3A_229 : vector<16xi32>
      tpu.vector_store_idx %arg6[%add3A_230], %get3A_222 : memref<25600xi32, #tpu.memory_space<vmem>>[vector<16xi32>], vector<16xi32>,
      %get3A_231 = arith.index_cast %scan3A_220 : i32 to index
      %get3A_232 = arith.constant 16 : index
      %get3A_233 = tpu.vector_load %arg5[%get3A_231, %get3A_232] {strides = array<i32>} : memref<512x50xi32, #tpu.memory_space<vmem>>, vector<16xi32>,
      %add3A_234 = arith.constant 16 : i32
      %add3A_235 = vector.broadcast %add3A_234 : i32 to vector<16xi32>
      %add3A_236 = arith.addi %add3A_235, %iota3A : vector<16xi32>
      %mul3A_237 = arith.constant 512 : i32
      %mul3A_238 = vector.broadcast %mul3A_237 : i32 to vector<16xi32>
      %mul3A_239 = arith.muli %add3A_236, %mul3A_238 : vector<16xi32>
      %add3A_240 = vector.broadcast %scan3A_220 : i32 to vector<16xi32>
      %add3A_241 = arith.addi %mul3A_239, %add3A_240 : vector<16xi32>
      tpu.vector_store_idx %arg6[%add3A_241], %get3A_233 : memref<25600xi32, #tpu.memory_space<vmem>>[vector<16xi32>], vector<16xi32>,
      %get3A_242 = arith.index_cast %scan3A_220 : i32 to index
      %get3A_243 = arith.constant 32 : index
      %get3A_244 = tpu.vector_load %arg5[%get3A_242, %get3A_243] {strides = array<i32>} : memref<512x50xi32, #tpu.memory_space<vmem>>, vector<16xi32>,
      %add3A_245 = arith.constant 32 : i32
      %add3A_246 = vector.broadcast %add3A_245 : i32 to vector<16xi32>
      %add3A_247 = arith.addi %add3A_246, %iota3A : vector<16xi32>
      %mul3A_248 = arith.constant 512 : i32
      %mul3A_249 = vector.broadcast %mul3A_248 : i32 to vector<16xi32>
      %mul3A_250 = arith.muli %add3A_247, %mul3A_249 : vector<16xi32>
      %add3A_251 = vector.broadcast %scan3A_220 : i32 to vector<16xi32>
      %add3A_252 = arith.addi %mul3A_250, %add3A_251 : vector<16xi32>
      tpu.vector_store_idx %arg6[%add3A_252], %get3A_244 : memref<25600xi32, #tpu.memory_space<vmem>>[vector<16xi32>], vector<16xi32>,
      %get3A_253 = arith.index_cast %scan3A_220 : i32 to index
      %get3A_254 = arith.constant 34 : index
      %get3A_255 = tpu.vector_load %arg5[%get3A_253, %get3A_254] {strides = array<i32>} : memref<512x50xi32, #tpu.memory_space<vmem>>, vector<16xi32>,
      %add3A_256 = arith.constant 34 : i32
      %add3A_257 = vector.broadcast %add3A_256 : i32 to vector<16xi32>
      %add3A_258 = arith.addi %add3A_257, %iota3A : vector<16xi32>
      %mul3A_259 = arith.constant 512 : i32
      %mul3A_260 = vector.broadcast %mul3A_259 : i32 to vector<16xi32>
      %mul3A_261 = arith.muli %add3A_258, %mul3A_260 : vector<16xi32>
      %add3A_262 = vector.broadcast %scan3A_220 : i32 to vector<16xi32>
      %add3A_263 = arith.addi %mul3A_261, %add3A_262 : vector<16xi32>
      tpu.vector_store_idx %arg6[%add3A_263], %get3A_255 : memref<25600xi32, #tpu.memory_space<vmem>>[vector<16xi32>], vector<16xi32>,
    }
    %scan3A_7 = arith.constant 512 : i32
    %dma_start3A = arith.constant 0 : i32
    %dma_start3A_8 = arith.constant 0 : i32
    %dma_start3A_9 = arith.constant 0 : i32
    %dma_start3A_10 = tpu.memref_slice %arg7[%dma_start3A, %dma_start3A_8, %dma_start3A_9] : memref<8x128x32xf32, #tpu.memory_space<vmem>> -> memref<1x128x32xf32, #tpu.memory_space<vmem>>
    %dma_start3A_11 = tpu.memref_squeeze %dma_start3A_10 : memref<1x128x32xf32, #tpu.memory_space<vmem>> -> memref<128x32xf32, #tpu.memory_space<vmem>>
    %dma_start3A_12 = arith.constant 0 : i32
    %dma_start3A_13 = tpu.memref_slice %arg6[%dma_start3A_12] : memref<25600xi32, #tpu.memory_space<vmem>> -> memref<128xi32, #tpu.memory_space<vmem>>
    %dma_start3A_14 = arith.constant 0 : i32
    %dma_start3A_15 = arith.constant 0 : i32
    %dma_start3A_16 = tpu.memref_slice %arg3[%dma_start3A_14, %dma_start3A_15] : memref<1000000x32xf32, #tpu.memory_space<hbm>> -> memref<1000000x32xf32, #tpu.memory_space<hbm>>
    tpu.enqueue_indirect_dma source(%dma_start3A_16 : memref<1000000x32xf32, #tpu.memory_space<hbm>>) target(%dma_start3A_11 : memref<128x32xf32, #tpu.memory_space<vmem>>) offsets(%dma_start3A_13 : memref<128xi32, #tpu.memory_space<vmem>>) semaphore(%arg8 : memref<!tpu.dma_semaphore, #tpu.memory_space<semaphore_mem>>)
    %dma_start3A_17 = arith.constant 1 : i32
    %dma_start3A_18 = arith.constant 0 : i32
    %dma_start3A_19 = arith.constant 0 : i32
    %dma_start3A_20 = tpu.memref_slice %arg7[%dma_start3A_17, %dma_start3A_18, %dma_start3A_19] : memref<8x128x32xf32, #tpu.memory_space<vmem>> -> memref<1x128x32xf32, #tpu.memory_space<vmem>>
    %dma_start3A_21 = tpu.memref_squeeze %dma_start3A_20 : memref<1x128x32xf32, #tpu.memory_space<vmem>> -> memref<128x32xf32, #tpu.memory_space<vmem>>
    %dma_start3A_22 = arith.constant 128 : i32
    %dma_start3A_23 = tpu.memref_slice %arg6[%dma_start3A_22] : memref<25600xi32, #tpu.memory_space<vmem>> -> memref<128xi32, #tpu.memory_space<vmem>>
    %dma_start3A_24 = arith.constant 0 : i32
    %dma_start3A_25 = arith.constant 0 : i32
    %dma_start3A_26 = tpu.memref_slice %arg3[%dma_start3A_24, %dma_start3A_25] : memref<1000000x32xf32, #tpu.memory_space<hbm>> -> memref<1000000x32xf32, #tpu.memory_space<hbm>>
    tpu.enqueue_indirect_dma source(%dma_start3A_26 : memref<1000000x32xf32, #tpu.memory_space<hbm>>) target(%dma_start3A_21 : memref<128x32xf32, #tpu.memory_space<vmem>>) offsets(%dma_start3A_23 : memref<128xi32, #tpu.memory_space<vmem>>) semaphore(%arg9 : memref<!tpu.dma_semaphore, #tpu.memory_space<semaphore_mem>>)
    %dma_start3A_27 = arith.constant 2 : i32
    %dma_start3A_28 = arith.constant 0 : i32
    %dma_start3A_29 = arith.constant 0 : i32
    %dma_start3A_30 = tpu.memref_slice %arg7[%dma_start3A_27, %dma_start3A_28, %dma_start3A_29] : memref<8x128x32xf32, #tpu.memory_space<vmem>> -> memref<1x128x32xf32, #tpu.memory_space<vmem>>
    %dma_start3A_31 = tpu.memref_squeeze %dma_start3A_30 : memref<1x128x32xf32, #tpu.memory_space<vmem>> -> memref<128x32xf32, #tpu.memory_space<vmem>>
    %dma_start3A_32 = arith.constant 256 : i32
    %dma_start3A_33 = tpu.memref_slice %arg6[%dma_start3A_32] : memref<25600xi32, #tpu.memory_space<vmem>> -> memref<128xi32, #tpu.memory_space<vmem>>
    %dma_start3A_34 = arith.constant 0 : i32
    %dma_start3A_35 = arith.constant 0 : i32
    %dma_start3A_36 = tpu.memref_slice %arg3[%dma_start3A_34, %dma_start3A_35] : memref<1000000x32xf32, #tpu.memory_space<hbm>> -> memref<1000000x32xf32, #tpu.memory_space<hbm>>
    tpu.enqueue_indirect_dma source(%dma_start3A_36 : memref<1000000x32xf32, #tpu.memory_space<hbm>>) target(%dma_start3A_31 : memref<128x32xf32, #tpu.memory_space<vmem>>) offsets(%dma_start3A_33 : memref<128xi32, #tpu.memory_space<vmem>>) semaphore(%arg10 : memref<!tpu.dma_semaphore, #tpu.memory_space<semaphore_mem>>)
    %dma_start3A_37 = arith.constant 3 : i32
    %dma_start3A_38 = arith.constant 0 : i32
    %dma_start3A_39 = arith.constant 0 : i32
    %dma_start3A_40 = tpu.memref_slice %arg7[%dma_start3A_37, %dma_start3A_38, %dma_start3A_39] : memref<8x128x32xf32, #tpu.memory_space<vmem>> -> memref<1x128x32xf32, #tpu.memory_space<vmem>>
    %dma_start3A_41 = tpu.memref_squeeze %dma_start3A_40 : memref<1x128x32xf32, #tpu.memory_space<vmem>> -> memref<128x32xf32, #tpu.memory_space<vmem>>
    %dma_start3A_42 = arith.constant 384 : i32
    %dma_start3A_43 = tpu.memref_slice %arg6[%dma_start3A_42] : memref<25600xi32, #tpu.memory_space<vmem>> -> memref<128xi32, #tpu.memory_space<vmem>>
    %dma_start3A_44 = arith.constant 0 : i32
    %dma_start3A_45 = arith.constant 0 : i32
    %dma_start3A_46 = tpu.memref_slice %arg3[%dma_start3A_44, %dma_start3A_45] : memref<1000000x32xf32, #tpu.memory_space<hbm>> -> memref<1000000x32xf32, #tpu.memory_space<hbm>>
    tpu.enqueue_indirect_dma source(%dma_start3A_46 : memref<1000000x32xf32, #tpu.memory_space<hbm>>) target(%dma_start3A_41 : memref<128x32xf32, #tpu.memory_space<vmem>>) offsets(%dma_start3A_43 : memref<128xi32, #tpu.memory_space<vmem>>) semaphore(%arg11 : memref<!tpu.dma_semaphore, #tpu.memory_space<semaphore_mem>>)
    %dma_start3A_47 = arith.constant 4 : i32
    %dma_start3A_48 = arith.constant 0 : i32
    %dma_start3A_49 = arith.constant 0 : i32
    %dma_start3A_50 = tpu.memref_slice %arg7[%dma_start3A_47, %dma_start3A_48, %dma_start3A_49] : memref<8x128x32xf32, #tpu.memory_space<vmem>> -> memref<1x128x32xf32, #tpu.memory_space<vmem>>
    %dma_start3A_51 = tpu.memref_squeeze %dma_start3A_50 : memref<1x128x32xf32, #tpu.memory_space<vmem>> -> memref<128x32xf32, #tpu.memory_space<vmem>>
    %dma_start3A_52 = arith.constant 512 : i32
    %dma_start3A_53 = tpu.memref_slice %arg6[%dma_start3A_52] : memref<25600xi32, #tpu.memory_space<vmem>> -> memref<128xi32, #tpu.memory_space<vmem>>
    %dma_start3A_54 = arith.constant 0 : i32
    %dma_start3A_55 = arith.constant 0 : i32
    %dma_start3A_56 = tpu.memref_slice %arg3[%dma_start3A_54, %dma_start3A_55] : memref<1000000x32xf32, #tpu.memory_space<hbm>> -> memref<1000000x32xf32, #tpu.memory_space<hbm>>
    tpu.enqueue_indirect_dma source(%dma_start3A_56 : memref<1000000x32xf32, #tpu.memory_space<hbm>>) target(%dma_start3A_51 : memref<128x32xf32, #tpu.memory_space<vmem>>) offsets(%dma_start3A_53 : memref<128xi32, #tpu.memory_space<vmem>>) semaphore(%arg12 : memref<!tpu.dma_semaphore, #tpu.memory_space<semaphore_mem>>)
    %dma_start3A_57 = arith.constant 5 : i32
    %dma_start3A_58 = arith.constant 0 : i32
    %dma_start3A_59 = arith.constant 0 : i32
    %dma_start3A_60 = tpu.memref_slice %arg7[%dma_start3A_57, %dma_start3A_58, %dma_start3A_59] : memref<8x128x32xf32, #tpu.memory_space<vmem>> -> memref<1x128x32xf32, #tpu.memory_space<vmem>>
    %dma_start3A_61 = tpu.memref_squeeze %dma_start3A_60 : memref<1x128x32xf32, #tpu.memory_space<vmem>> -> memref<128x32xf32, #tpu.memory_space<vmem>>
    %dma_start3A_62 = arith.constant 640 : i32
    %dma_start3A_63 = tpu.memref_slice %arg6[%dma_start3A_62] : memref<25600xi32, #tpu.memory_space<vmem>> -> memref<128xi32, #tpu.memory_space<vmem>>
    %dma_start3A_64 = arith.constant 0 : i32
    %dma_start3A_65 = arith.constant 0 : i32
    %dma_start3A_66 = tpu.memref_slice %arg3[%dma_start3A_64, %dma_start3A_65] : memref<1000000x32xf32, #tpu.memory_space<hbm>> -> memref<1000000x32xf32, #tpu.memory_space<hbm>>
    tpu.enqueue_indirect_dma source(%dma_start3A_66 : memref<1000000x32xf32, #tpu.memory_space<hbm>>) target(%dma_start3A_61 : memref<128x32xf32, #tpu.memory_space<vmem>>) offsets(%dma_start3A_63 : memref<128xi32, #tpu.memory_space<vmem>>) semaphore(%arg13 : memref<!tpu.dma_semaphore, #tpu.memory_space<semaphore_mem>>)
    %dma_start3A_67 = arith.constant 6 : i32
    %dma_start3A_68 = arith.constant 0 : i32
    %dma_start3A_69 = arith.constant 0 : i32
    %dma_start3A_70 = tpu.memref_slice %arg7[%dma_start3A_67, %dma_start3A_68, %dma_start3A_69] : memref<8x128x32xf32, #tpu.memory_space<vmem>> -> memref<1x128x32xf32, #tpu.memory_space<vmem>>
    %dma_start3A_71 = tpu.memref_squeeze %dma_start3A_70 : memref<1x128x32xf32, #tpu.memory_space<vmem>> -> memref<128x32xf32, #tpu.memory_space<vmem>>
    %dma_start3A_72 = arith.constant 768 : i32
    %dma_start3A_73 = tpu.memref_slice %arg6[%dma_start3A_72] : memref<25600xi32, #tpu.memory_space<vmem>> -> memref<128xi32, #tpu.memory_space<vmem>>
    %dma_start3A_74 = arith.constant 0 : i32
    %dma_start3A_75 = arith.constant 0 : i32
    %dma_start3A_76 = tpu.memref_slice %arg3[%dma_start3A_74, %dma_start3A_75] : memref<1000000x32xf32, #tpu.memory_space<hbm>> -> memref<1000000x32xf32, #tpu.memory_space<hbm>>
    tpu.enqueue_indirect_dma source(%dma_start3A_76 : memref<1000000x32xf32, #tpu.memory_space<hbm>>) target(%dma_start3A_71 : memref<128x32xf32, #tpu.memory_space<vmem>>) offsets(%dma_start3A_73 : memref<128xi32, #tpu.memory_space<vmem>>) semaphore(%arg14 : memref<!tpu.dma_semaphore, #tpu.memory_space<semaphore_mem>>)
    %dma_start3A_77 = arith.constant 7 : i32
    %dma_start3A_78 = arith.constant 0 : i32
    %dma_start3A_79 = arith.constant 0 : i32
    %dma_start3A_80 = tpu.memref_slice %arg7[%dma_start3A_77, %dma_start3A_78, %dma_start3A_79] : memref<8x128x32xf32, #tpu.memory_space<vmem>> -> memref<1x128x32xf32, #tpu.memory_space<vmem>>
    %dma_start3A_81 = tpu.memref_squeeze %dma_start3A_80 : memref<1x128x32xf32, #tpu.memory_space<vmem>> -> memref<128x32xf32, #tpu.memory_space<vmem>>
    %dma_start3A_82 = arith.constant 896 : i32
    %dma_start3A_83 = tpu.memref_slice %arg6[%dma_start3A_82] : memref<25600xi32, #tpu.memory_space<vmem>> -> memref<128xi32, #tpu.memory_space<vmem>>
    %dma_start3A_84 = arith.constant 0 : i32
    %dma_start3A_85 = arith.constant 0 : i32
    %dma_start3A_86 = tpu.memref_slice %arg3[%dma_start3A_84, %dma_start3A_85] : memref<1000000x32xf32, #tpu.memory_space<hbm>> -> memref<1000000x32xf32, #tpu.memory_space<hbm>>
    tpu.enqueue_indirect_dma source(%dma_start3A_86 : memref<1000000x32xf32, #tpu.memory_space<hbm>>) target(%dma_start3A_81 : memref<128x32xf32, #tpu.memory_space<vmem>>) offsets(%dma_start3A_83 : memref<128xi32, #tpu.memory_space<vmem>>) semaphore(%arg15 : memref<!tpu.dma_semaphore, #tpu.memory_space<semaphore_mem>>)
    %scan3A_87 = arith.constant 0 : i32
    %scan3A_88 = arith.constant 0 : i32
    %scan3A_89 = arith.constant 25 : i32
    %scan3A_90 = arith.addi %scan3A_88, %scan3A_89 : i32
    %scan3A_91 = arith.constant 1 : i32
    scf.for %scan3A_220 = %scan3A_88 to %scan3A_90 step %scan3A_91  : i32 {
      %mul3A_221 = arith.constant 2 : i32
      %mul3A_222 = arith.muli %mul3A_221, %scan3A_220 : i32
      %add3A_223 = arith.constant 0 : i32
      %add3A_224 = arith.addi %mul3A_222, %add3A_223 : i32
      %dma_wait3A_225 = arith.constant 0 : i32
      %dma_wait3A_226 = arith.constant 0 : i32
      %dma_wait3A_227 = arith.constant 0 : i32
      %dma_wait3A_228 = tpu.memref_slice %arg7[%dma_wait3A_225, %dma_wait3A_226, %dma_wait3A_227] : memref<8x128x32xf32, #tpu.memory_space<vmem>> -> memref<1x128x32xf32, #tpu.memory_space<vmem>>
      %dma_wait3A_229 = tpu.memref_squeeze %dma_wait3A_228 : memref<1x128x32xf32, #tpu.memory_space<vmem>> -> memref<128x32xf32, #tpu.memory_space<vmem>>
      %dma_wait3A_230 = arith.constant 0 : i32
      %dma_wait3A_231 = arith.constant 0 : i32
      %dma_wait3A_232 = tpu.memref_slice %arg3[%dma_wait3A_230, %dma_wait3A_231] : memref<1000000x32xf32, #tpu.memory_space<hbm>> -> memref<128x32xf32, #tpu.memory_space<hbm>>
      %dma_wait3A_233 = arith.constant 0 : i32
      %dma_wait3A_234 = arith.constant 0 : i32
      %dma_wait3A_235 = tpu.memref_slice %arg7[%dma_wait3A_225, %dma_wait3A_233, %dma_wait3A_234] : memref<8x128x32xf32, #tpu.memory_space<vmem>> -> memref<1x128x32xf32, #tpu.memory_space<vmem>>
      %dma_wait3A_236 = tpu.memref_squeeze %dma_wait3A_235 : memref<1x128x32xf32, #tpu.memory_space<vmem>> -> memref<128x32xf32, #tpu.memory_space<vmem>>
      %dma_wait3A_237 = arith.constant 0 : i32
      %dma_wait3A_238 = arith.constant 0 : i32
      %dma_wait3A_239 = tpu.memref_slice %arg3[%dma_wait3A_237, %dma_wait3A_238] : memref<1000000x32xf32, #tpu.memory_space<hbm>> -> memref<128x32xf32, #tpu.memory_space<hbm>>
      tpu.wait_dma2 semaphore(%arg8 : memref<!tpu.dma_semaphore, #tpu.memory_space<semaphore_mem>>) src(%dma_wait3A_239 : memref<128x32xf32, #tpu.memory_space<hbm>>) dst(%dma_wait3A_236 : memref<128x32xf32, #tpu.memory_space<vmem>>)
      %add3A_240 = arith.constant 0 : i32
      %add3A_241 = arith.addi %mul3A_2, %add3A_240 : i32
      %dma_start3A_242 = arith.constant 0 : i32
      %dma_start3A_243 = arith.constant 0 : i32
      %dma_start3A_244 = arith.constant 0 : i32
      %dma_start3A_245 = tpu.memref_slice %arg7[%dma_start3A_242, %dma_start3A_243, %dma_start3A_244] : memref<8x128x32xf32, #tpu.memory_space<vmem>> -> memref<1x128x32xf32, #tpu.memory_space<vmem>>
      %dma_start3A_246 = tpu.memref_squeeze %dma_start3A_245 : memref<1x128x32xf32, #tpu.memory_space<vmem>> -> memref<128x32xf32, #tpu.memory_space<vmem>>
      %dma_start3A_247 = arith.constant 0 : i32
      %dma_start3A_248 = tpu.memref_slice %arg4[%add3A_224, %add3A_241, %dma_start3A_247] : memref<50x16384x32xf32, #tpu.memory_space<hbm>> -> memref<1x128x32xf32, #tpu.memory_space<hbm>>
      %dma_start3A_249 = tpu.memref_squeeze %dma_start3A_248 : memref<1x128x32xf32, #tpu.memory_space<hbm>> -> memref<128x32xf32, #tpu.memory_space<hbm>>
      %dma_start3A_250 = arith.constant 0 : i32
      %dma_start3A_251 = tpu.memref_slice %arg4[%add3A_224, %add3A_241, %dma_start3A_250] : memref<50x16384x32xf32, #tpu.memory_space<hbm>> -> memref<1x128x32xf32, #tpu.memory_space<hbm>>
      %dma_start3A_252 = tpu.memref_squeeze %dma_start3A_251 : memref<1x128x32xf32, #tpu.memory_space<hbm>> -> memref<128x32xf32, #tpu.memory_space<hbm>>
      %dma_start3A_253 = arith.constant 0 : i32
      %dma_start3A_254 = arith.constant 0 : i32
      %dma_start3A_255 = tpu.memref_slice %arg7[%dma_start3A_242, %dma_start3A_253, %dma_start3A_254] : memref<8x128x32xf32, #tpu.memory_space<vmem>> -> memref<1x128x32xf32, #tpu.memory_space<vmem>>
      %dma_start3A_256 = tpu.memref_squeeze %dma_start3A_255 : memref<1x128x32xf32, #tpu.memory_space<vmem>> -> memref<128x32xf32, #tpu.memory_space<vmem>>
      tpu.enqueue_dma source(%dma_start3A_256 : memref<128x32xf32, #tpu.memory_space<vmem>>) target(%dma_start3A_252 : memref<128x32xf32, #tpu.memory_space<hbm>>) target_semaphore(%arg16 : memref<!tpu.dma_semaphore, #tpu.memory_space<semaphore_mem>>)
      %lt3A = arith.constant 24 : i32
      %lt3A_257 = arith.cmpi slt, %scan3A_220, %lt3A : i32
      %convert_element_type3A = arith.extui %lt3A_257 : i1 to i32
      %cond3A = arith.constant 0 : i32
      %cond3A_258 = arith.cmpi ne, %convert_element_type3A, %cond3A : i32
      scf.if %cond3A_258 {
        %dma_wait3A_546 = arith.constant 0 : i32
        %dma_wait3A_547 = arith.constant 0 : i32
        %dma_wait3A_548 = arith.constant 0 : i32
        %dma_wait3A_549 = arith.constant 0 : i32
        %dma_wait3A_550 = tpu.memref_slice %arg7[%dma_wait3A_546, %dma_wait3A_548, %dma_wait3A_549] : memref<8x128x32xf32, #tpu.memory_space<vmem>> -> memref<1x128x32xf32, #tpu.memory_space<vmem>>
        %dma_wait3A_551 = tpu.memref_squeeze %dma_wait3A_550 : memref<1x128x32xf32, #tpu.memory_space<vmem>> -> memref<128x32xf32, #tpu.memory_space<vmem>>
        %dma_wait3A_552 = arith.constant 0 : i32
        %dma_wait3A_553 = tpu.memref_slice %arg4[%dma_wait3A_547, %mul3A_2, %dma_wait3A_552] : memref<50x16384x32xf32, #tpu.memory_space<hbm>> -> memref<1x128x32xf32, #tpu.memory_space<hbm>>
        %dma_wait3A_554 = tpu.memref_squeeze %dma_wait3A_553 : memref<1x128x32xf32, #tpu.memory_space<hbm>> -> memref<128x32xf32, #tpu.memory_space<hbm>>
        %dma_wait3A_555 = arith.constant 0 : i32
        %dma_wait3A_556 = tpu.memref_slice %arg4[%dma_wait3A_547, %mul3A_2, %dma_wait3A_555] : memref<50x16384x32xf32, #tpu.memory_space<hbm>> -> memref<1x128x32xf32, #tpu.memory_space<hbm>>
        %dma_wait3A_557 = tpu.memref_squeeze %dma_wait3A_556 : memref<1x128x32xf32, #tpu.memory_space<hbm>> -> memref<128x32xf32, #tpu.memory_space<hbm>>
        %dma_wait3A_558 = arith.constant 0 : i32
        %dma_wait3A_559 = arith.constant 0 : i32
        %dma_wait3A_560 = tpu.memref_slice %arg7[%dma_wait3A_546, %dma_wait3A_558, %dma_wait3A_559] : memref<8x128x32xf32, #tpu.memory_space<vmem>> -> memref<1x128x32xf32, #tpu.memory_space<vmem>>
        %dma_wait3A_561 = tpu.memref_squeeze %dma_wait3A_560 : memref<1x128x32xf32, #tpu.memory_space<vmem>> -> memref<128x32xf32, #tpu.memory_space<vmem>>
        tpu.wait_dma2 semaphore(%arg16 : memref<!tpu.dma_semaphore, #tpu.memory_space<semaphore_mem>>) src(%dma_wait3A_561 : memref<128x32xf32, #tpu.memory_space<vmem>>) dst(%dma_wait3A_557 : memref<128x32xf32, #tpu.memory_space<hbm>>)
        %add3A_562 = arith.constant 1 : i32
        %add3A_563 = arith.addi %scan3A_220, %add3A_562 : i32
        %mul3A_564 = arith.constant 8 : i32
        %mul3A_565 = arith.muli %mul3A_564, %add3A_563 : i32
        %add3A_566 = arith.constant 0 : i32
        %add3A_567 = arith.addi %mul3A_565, %add3A_566 : i32
        %mul3A_568 = arith.constant 128 : i32
        %mul3A_569 = arith.muli %add3A_567, %mul3A_568 : i32
        %dma_start3A_570 = arith.constant 0 : i32
        %dma_start3A_571 = arith.constant 0 : i32
        %dma_start3A_572 = arith.constant 0 : i32
        %dma_start3A_573 = tpu.memref_slice %arg7[%dma_start3A_570, %dma_start3A_571, %dma_start3A_572] : memref<8x128x32xf32, #tpu.memory_space<vmem>> -> memref<1x128x32xf32, #tpu.memory_space<vmem>>
        %dma_start3A_574 = tpu.memref_squeeze %dma_start3A_573 : memref<1x128x32xf32, #tpu.memory_space<vmem>> -> memref<128x32xf32, #tpu.memory_space<vmem>>
        %dma_start3A_575 = tpu.memref_slice %arg6[%mul3A_569] : memref<25600xi32, #tpu.memory_space<vmem>> -> memref<128xi32, #tpu.memory_space<vmem>>
        %dma_start3A_576 = arith.constant 0 : i32
        %dma_start3A_577 = arith.constant 0 : i32
        %dma_start3A_578 = tpu.memref_slice %arg3[%dma_start3A_576, %dma_start3A_577] : memref<1000000x32xf32, #tpu.memory_space<hbm>> -> memref<1000000x32xf32, #tpu.memory_space<hbm>>
        tpu.enqueue_indirect_dma source(%dma_start3A_578 : memref<1000000x32xf32, #tpu.memory_space<hbm>>) target(%dma_start3A_574 : memref<128x32xf32, #tpu.memory_space<vmem>>) offsets(%dma_start3A_575 : memref<128xi32, #tpu.memory_space<vmem>>) semaphore(%arg8 : memref<!tpu.dma_semaphore, #tpu.memory_space<semaphore_mem>>)
      } else {
      }
      %mul3A_259 = arith.constant 2 : i32
      %mul3A_260 = arith.muli %mul3A_259, %scan3A_220 : i32
      %add3A_261 = arith.constant 0 : i32
      %add3A_262 = arith.addi %mul3A_260, %add3A_261 : i32
      %dma_wait3A_263 = arith.constant 1 : i32
      %dma_wait3A_264 = arith.constant 0 : i32
      %dma_wait3A_265 = arith.constant 0 : i32
      %dma_wait3A_266 = tpu.memref_slice %arg7[%dma_wait3A_263, %dma_wait3A_264, %dma_wait3A_265] : memref<8x128x32xf32, #tpu.memory_space<vmem>> -> memref<1x128x32xf32, #tpu.memory_space<vmem>>
      %dma_wait3A_267 = tpu.memref_squeeze %dma_wait3A_266 : memref<1x128x32xf32, #tpu.memory_space<vmem>> -> memref<128x32xf32, #tpu.memory_space<vmem>>
      %dma_wait3A_268 = arith.constant 0 : i32
      %dma_wait3A_269 = arith.constant 0 : i32
      %dma_wait3A_270 = tpu.memref_slice %arg3[%dma_wait3A_268, %dma_wait3A_269] : memref<1000000x32xf32, #tpu.memory_space<hbm>> -> memref<128x32xf32, #tpu.memory_space<hbm>>
      %dma_wait3A_271 = arith.constant 0 : i32
      %dma_wait3A_272 = arith.constant 0 : i32
      %dma_wait3A_273 = tpu.memref_slice %arg7[%dma_wait3A_263, %dma_wait3A_271, %dma_wait3A_272] : memref<8x128x32xf32, #tpu.memory_space<vmem>> -> memref<1x128x32xf32, #tpu.memory_space<vmem>>
      %dma_wait3A_274 = tpu.memref_squeeze %dma_wait3A_273 : memref<1x128x32xf32, #tpu.memory_space<vmem>> -> memref<128x32xf32, #tpu.memory_space<vmem>>
      %dma_wait3A_275 = arith.constant 0 : i32
      %dma_wait3A_276 = arith.constant 0 : i32
      %dma_wait3A_277 = tpu.memref_slice %arg3[%dma_wait3A_275, %dma_wait3A_276] : memref<1000000x32xf32, #tpu.memory_space<hbm>> -> memref<128x32xf32, #tpu.memory_space<hbm>>
      tpu.wait_dma2 semaphore(%arg9 : memref<!tpu.dma_semaphore, #tpu.memory_space<semaphore_mem>>) src(%dma_wait3A_277 : memref<128x32xf32, #tpu.memory_space<hbm>>) dst(%dma_wait3A_274 : memref<128x32xf32, #tpu.memory_space<vmem>>)
      %add3A_278 = arith.constant 128 : i32
      %add3A_279 = arith.addi %mul3A_2, %add3A_278 : i32
      %dma_start3A_280 = arith.constant 1 : i32
      %dma_start3A_281 = arith.constant 0 : i32
      %dma_start3A_282 = arith.constant 0 : i32
      %dma_start3A_283 = tpu.memref_slice %arg7[%dma_start3A_280, %dma_start3A_281, %dma_start3A_282] : memref<8x128x32xf32, #tpu.memory_space<vmem>> -> memref<1x128x32xf32, #tpu.memory_space<vmem>>
      %dma_start3A_284 = tpu.memref_squeeze %dma_start3A_283 : memref<1x128x32xf32, #tpu.memory_space<vmem>> -> memref<128x32xf32, #tpu.memory_space<vmem>>
      %dma_start3A_285 = arith.constant 0 : i32
      %dma_start3A_286 = tpu.memref_slice %arg4[%add3A_262, %add3A_279, %dma_start3A_285] : memref<50x16384x32xf32, #tpu.memory_space<hbm>> -> memref<1x128x32xf32, #tpu.memory_space<hbm>>
      %dma_start3A_287 = tpu.memref_squeeze %dma_start3A_286 : memref<1x128x32xf32, #tpu.memory_space<hbm>> -> memref<128x32xf32, #tpu.memory_space<hbm>>
      %dma_start3A_288 = arith.constant 0 : i32
      %dma_start3A_289 = tpu.memref_slice %arg4[%add3A_262, %add3A_279, %dma_start3A_288] : memref<50x16384x32xf32, #tpu.memory_space<hbm>> -> memref<1x128x32xf32, #tpu.memory_space<hbm>>
      %dma_start3A_290 = tpu.memref_squeeze %dma_start3A_289 : memref<1x128x32xf32, #tpu.memory_space<hbm>> -> memref<128x32xf32, #tpu.memory_space<hbm>>
      %dma_start3A_291 = arith.constant 0 : i32
      %dma_start3A_292 = arith.constant 0 : i32
      %dma_start3A_293 = tpu.memref_slice %arg7[%dma_start3A_280, %dma_start3A_291, %dma_start3A_292] : memref<8x128x32xf32, #tpu.memory_space<vmem>> -> memref<1x128x32xf32, #tpu.memory_space<vmem>>
      %dma_start3A_294 = tpu.memref_squeeze %dma_start3A_293 : memref<1x128x32xf32, #tpu.memory_space<vmem>> -> memref<128x32xf32, #tpu.memory_space<vmem>>
      tpu.enqueue_dma source(%dma_start3A_294 : memref<128x32xf32, #tpu.memory_space<vmem>>) target(%dma_start3A_290 : memref<128x32xf32, #tpu.memory_space<hbm>>) target_semaphore(%arg17 : memref<!tpu.dma_semaphore, #tpu.memory_space<semaphore_mem>>)
      %lt3A_295 = arith.constant 24 : i32
      %lt3A_296 = arith.cmpi slt, %scan3A_220, %lt3A_295 : i32
      %convert_element_type3A_297 = arith.extui %lt3A_296 : i1 to i32
      %cond3A_298 = arith.constant 0 : i32
      %cond3A_299 = arith.cmpi ne, %convert_element_type3A_297, %cond3A_298 : i32
      scf.if %cond3A_299 {
        %dma_wait3A_546 = arith.constant 1 : i32
        %dma_wait3A_547 = arith.constant 0 : i32
        %dma_wait3A_548 = arith.constant 0 : i32
        %dma_wait3A_549 = arith.constant 0 : i32
        %dma_wait3A_550 = tpu.memref_slice %arg7[%dma_wait3A_546, %dma_wait3A_548, %dma_wait3A_549] : memref<8x128x32xf32, #tpu.memory_space<vmem>> -> memref<1x128x32xf32, #tpu.memory_space<vmem>>
        %dma_wait3A_551 = tpu.memref_squeeze %dma_wait3A_550 : memref<1x128x32xf32, #tpu.memory_space<vmem>> -> memref<128x32xf32, #tpu.memory_space<vmem>>
        %dma_wait3A_552 = arith.constant 0 : i32
        %dma_wait3A_553 = tpu.memref_slice %arg4[%dma_wait3A_547, %mul3A_2, %dma_wait3A_552] : memref<50x16384x32xf32, #tpu.memory_space<hbm>> -> memref<1x128x32xf32, #tpu.memory_space<hbm>>
        %dma_wait3A_554 = tpu.memref_squeeze %dma_wait3A_553 : memref<1x128x32xf32, #tpu.memory_space<hbm>> -> memref<128x32xf32, #tpu.memory_space<hbm>>
        %dma_wait3A_555 = arith.constant 0 : i32
        %dma_wait3A_556 = tpu.memref_slice %arg4[%dma_wait3A_547, %mul3A_2, %dma_wait3A_555] : memref<50x16384x32xf32, #tpu.memory_space<hbm>> -> memref<1x128x32xf32, #tpu.memory_space<hbm>>
        %dma_wait3A_557 = tpu.memref_squeeze %dma_wait3A_556 : memref<1x128x32xf32, #tpu.memory_space<hbm>> -> memref<128x32xf32, #tpu.memory_space<hbm>>
        %dma_wait3A_558 = arith.constant 0 : i32
        %dma_wait3A_559 = arith.constant 0 : i32
        %dma_wait3A_560 = tpu.memref_slice %arg7[%dma_wait3A_546, %dma_wait3A_558, %dma_wait3A_559] : memref<8x128x32xf32, #tpu.memory_space<vmem>> -> memref<1x128x32xf32, #tpu.memory_space<vmem>>
        %dma_wait3A_561 = tpu.memref_squeeze %dma_wait3A_560 : memref<1x128x32xf32, #tpu.memory_space<vmem>> -> memref<128x32xf32, #tpu.memory_space<vmem>>
        tpu.wait_dma2 semaphore(%arg17 : memref<!tpu.dma_semaphore, #tpu.memory_space<semaphore_mem>>) src(%dma_wait3A_561 : memref<128x32xf32, #tpu.memory_space<vmem>>) dst(%dma_wait3A_557 : memref<128x32xf32, #tpu.memory_space<hbm>>)
        %add3A_562 = arith.constant 1 : i32
        %add3A_563 = arith.addi %scan3A_220, %add3A_562 : i32
        %mul3A_564 = arith.constant 8 : i32
        %mul3A_565 = arith.muli %mul3A_564, %add3A_563 : i32
        %add3A_566 = arith.constant 1 : i32
        %add3A_567 = arith.addi %mul3A_565, %add3A_566 : i32
        %mul3A_568 = arith.constant 128 : i32
        %mul3A_569 = arith.muli %add3A_567, %mul3A_568 : i32
        %dma_start3A_570 = arith.constant 1 : i32
        %dma_start3A_571 = arith.constant 0 : i32
        %dma_start3A_572 = arith.constant 0 : i32
        %dma_start3A_573 = tpu.memref_slice %arg7[%dma_start3A_570, %dma_start3A_571, %dma_start3A_572] : memref<8x128x32xf32, #tpu.memory_space<vmem>> -> memref<1x128x32xf32, #tpu.memory_space<vmem>>
        %dma_start3A_574 = tpu.memref_squeeze %dma_start3A_573 : memref<1x128x32xf32, #tpu.memory_space<vmem>> -> memref<128x32xf32, #tpu.memory_space<vmem>>
        %dma_start3A_575 = tpu.memref_slice %arg6[%mul3A_569] : memref<25600xi32, #tpu.memory_space<vmem>> -> memref<128xi32, #tpu.memory_space<vmem>>
        %dma_start3A_576 = arith.constant 0 : i32
        %dma_start3A_577 = arith.constant 0 : i32
        %dma_start3A_578 = tpu.memref_slice %arg3[%dma_start3A_576, %dma_start3A_577] : memref<1000000x32xf32, #tpu.memory_space<hbm>> -> memref<1000000x32xf32, #tpu.memory_space<hbm>>
        tpu.enqueue_indirect_dma source(%dma_start3A_578 : memref<1000000x32xf32, #tpu.memory_space<hbm>>) target(%dma_start3A_574 : memref<128x32xf32, #tpu.memory_space<vmem>>) offsets(%dma_start3A_575 : memref<128xi32, #tpu.memory_space<vmem>>) semaphore(%arg9 : memref<!tpu.dma_semaphore, #tpu.memory_space<semaphore_mem>>)
      } else {
      }
      %mul3A_300 = arith.constant 2 : i32
      %mul3A_301 = arith.muli %mul3A_300, %scan3A_220 : i32
      %add3A_302 = arith.constant 0 : i32
      %add3A_303 = arith.addi %mul3A_301, %add3A_302 : i32
      %dma_wait3A_304 = arith.constant 2 : i32
      %dma_wait3A_305 = arith.constant 0 : i32
      %dma_wait3A_306 = arith.constant 0 : i32
      %dma_wait3A_307 = tpu.memref_slice %arg7[%dma_wait3A_304, %dma_wait3A_305, %dma_wait3A_306] : memref<8x128x32xf32, #tpu.memory_space<vmem>> -> memref<1x128x32xf32, #tpu.memory_space<vmem>>
      %dma_wait3A_308 = tpu.memref_squeeze %dma_wait3A_307 : memref<1x128x32xf32, #tpu.memory_space<vmem>> -> memref<128x32xf32, #tpu.memory_space<vmem>>
      %dma_wait3A_309 = arith.constant 0 : i32
      %dma_wait3A_310 = arith.constant 0 : i32
      %dma_wait3A_311 = tpu.memref_slice %arg3[%dma_wait3A_309, %dma_wait3A_310] : memref<1000000x32xf32, #tpu.memory_space<hbm>> -> memref<128x32xf32, #tpu.memory_space<hbm>>
      %dma_wait3A_312 = arith.constant 0 : i32
      %dma_wait3A_313 = arith.constant 0 : i32
      %dma_wait3A_314 = tpu.memref_slice %arg7[%dma_wait3A_304, %dma_wait3A_312, %dma_wait3A_313] : memref<8x128x32xf32, #tpu.memory_space<vmem>> -> memref<1x128x32xf32, #tpu.memory_space<vmem>>
      %dma_wait3A_315 = tpu.memref_squeeze %dma_wait3A_314 : memref<1x128x32xf32, #tpu.memory_space<vmem>> -> memref<128x32xf32, #tpu.memory_space<vmem>>
      %dma_wait3A_316 = arith.constant 0 : i32
      %dma_wait3A_317 = arith.constant 0 : i32
      %dma_wait3A_318 = tpu.memref_slice %arg3[%dma_wait3A_316, %dma_wait3A_317] : memref<1000000x32xf32, #tpu.memory_space<hbm>> -> memref<128x32xf32, #tpu.memory_space<hbm>>
      tpu.wait_dma2 semaphore(%arg10 : memref<!tpu.dma_semaphore, #tpu.memory_space<semaphore_mem>>) src(%dma_wait3A_318 : memref<128x32xf32, #tpu.memory_space<hbm>>) dst(%dma_wait3A_315 : memref<128x32xf32, #tpu.memory_space<vmem>>)
      %add3A_319 = arith.constant 256 : i32
      %add3A_320 = arith.addi %mul3A_2, %add3A_319 : i32
      %dma_start3A_321 = arith.constant 2 : i32
      %dma_start3A_322 = arith.constant 0 : i32
      %dma_start3A_323 = arith.constant 0 : i32
      %dma_start3A_324 = tpu.memref_slice %arg7[%dma_start3A_321, %dma_start3A_322, %dma_start3A_323] : memref<8x128x32xf32, #tpu.memory_space<vmem>> -> memref<1x128x32xf32, #tpu.memory_space<vmem>>
      %dma_start3A_325 = tpu.memref_squeeze %dma_start3A_324 : memref<1x128x32xf32, #tpu.memory_space<vmem>> -> memref<128x32xf32, #tpu.memory_space<vmem>>
      %dma_start3A_326 = arith.constant 0 : i32
      %dma_start3A_327 = tpu.memref_slice %arg4[%add3A_303, %add3A_320, %dma_start3A_326] : memref<50x16384x32xf32, #tpu.memory_space<hbm>> -> memref<1x128x32xf32, #tpu.memory_space<hbm>>
      %dma_start3A_328 = tpu.memref_squeeze %dma_start3A_327 : memref<1x128x32xf32, #tpu.memory_space<hbm>> -> memref<128x32xf32, #tpu.memory_space<hbm>>
      %dma_start3A_329 = arith.constant 0 : i32
      %dma_start3A_330 = tpu.memref_slice %arg4[%add3A_303, %add3A_320, %dma_start3A_329] : memref<50x16384x32xf32, #tpu.memory_space<hbm>> -> memref<1x128x32xf32, #tpu.memory_space<hbm>>
      %dma_start3A_331 = tpu.memref_squeeze %dma_start3A_330 : memref<1x128x32xf32, #tpu.memory_space<hbm>> -> memref<128x32xf32, #tpu.memory_space<hbm>>
      %dma_start3A_332 = arith.constant 0 : i32
      %dma_start3A_333 = arith.constant 0 : i32
      %dma_start3A_334 = tpu.memref_slice %arg7[%dma_start3A_321, %dma_start3A_332, %dma_start3A_333] : memref<8x128x32xf32, #tpu.memory_space<vmem>> -> memref<1x128x32xf32, #tpu.memory_space<vmem>>
      %dma_start3A_335 = tpu.memref_squeeze %dma_start3A_334 : memref<1x128x32xf32, #tpu.memory_space<vmem>> -> memref<128x32xf32, #tpu.memory_space<vmem>>
      tpu.enqueue_dma source(%dma_start3A_335 : memref<128x32xf32, #tpu.memory_space<vmem>>) target(%dma_start3A_331 : memref<128x32xf32, #tpu.memory_space<hbm>>) target_semaphore(%arg18 : memref<!tpu.dma_semaphore, #tpu.memory_space<semaphore_mem>>)
      %lt3A_336 = arith.constant 24 : i32
      %lt3A_337 = arith.cmpi slt, %scan3A_220, %lt3A_336 : i32
      %convert_element_type3A_338 = arith.extui %lt3A_337 : i1 to i32
      %cond3A_339 = arith.constant 0 : i32
      %cond3A_340 = arith.cmpi ne, %convert_element_type3A_338, %cond3A_339 : i32
      scf.if %cond3A_340 {
        %dma_wait3A_546 = arith.constant 2 : i32
        %dma_wait3A_547 = arith.constant 0 : i32
        %dma_wait3A_548 = arith.constant 0 : i32
        %dma_wait3A_549 = arith.constant 0 : i32
        %dma_wait3A_550 = tpu.memref_slice %arg7[%dma_wait3A_546, %dma_wait3A_548, %dma_wait3A_549] : memref<8x128x32xf32, #tpu.memory_space<vmem>> -> memref<1x128x32xf32, #tpu.memory_space<vmem>>
        %dma_wait3A_551 = tpu.memref_squeeze %dma_wait3A_550 : memref<1x128x32xf32, #tpu.memory_space<vmem>> -> memref<128x32xf32, #tpu.memory_space<vmem>>
        %dma_wait3A_552 = arith.constant 0 : i32
        %dma_wait3A_553 = tpu.memref_slice %arg4[%dma_wait3A_547, %mul3A_2, %dma_wait3A_552] : memref<50x16384x32xf32, #tpu.memory_space<hbm>> -> memref<1x128x32xf32, #tpu.memory_space<hbm>>
        %dma_wait3A_554 = tpu.memref_squeeze %dma_wait3A_553 : memref<1x128x32xf32, #tpu.memory_space<hbm>> -> memref<128x32xf32, #tpu.memory_space<hbm>>
        %dma_wait3A_555 = arith.constant 0 : i32
        %dma_wait3A_556 = tpu.memref_slice %arg4[%dma_wait3A_547, %mul3A_2, %dma_wait3A_555] : memref<50x16384x32xf32, #tpu.memory_space<hbm>> -> memref<1x128x32xf32, #tpu.memory_space<hbm>>
        %dma_wait3A_557 = tpu.memref_squeeze %dma_wait3A_556 : memref<1x128x32xf32, #tpu.memory_space<hbm>> -> memref<128x32xf32, #tpu.memory_space<hbm>>
        %dma_wait3A_558 = arith.constant 0 : i32
        %dma_wait3A_559 = arith.constant 0 : i32
        %dma_wait3A_560 = tpu.memref_slice %arg7[%dma_wait3A_546, %dma_wait3A_558, %dma_wait3A_559] : memref<8x128x32xf32, #tpu.memory_space<vmem>> -> memref<1x128x32xf32, #tpu.memory_space<vmem>>
        %dma_wait3A_561 = tpu.memref_squeeze %dma_wait3A_560 : memref<1x128x32xf32, #tpu.memory_space<vmem>> -> memref<128x32xf32, #tpu.memory_space<vmem>>
        tpu.wait_dma2 semaphore(%arg18 : memref<!tpu.dma_semaphore, #tpu.memory_space<semaphore_mem>>) src(%dma_wait3A_561 : memref<128x32xf32, #tpu.memory_space<vmem>>) dst(%dma_wait3A_557 : memref<128x32xf32, #tpu.memory_space<hbm>>)
        %add3A_562 = arith.constant 1 : i32
        %add3A_563 = arith.addi %scan3A_220, %add3A_562 : i32
        %mul3A_564 = arith.constant 8 : i32
        %mul3A_565 = arith.muli %mul3A_564, %add3A_563 : i32
        %add3A_566 = arith.constant 2 : i32
        %add3A_567 = arith.addi %mul3A_565, %add3A_566 : i32
        %mul3A_568 = arith.constant 128 : i32
        %mul3A_569 = arith.muli %add3A_567, %mul3A_568 : i32
        %dma_start3A_570 = arith.constant 2 : i32
        %dma_start3A_571 = arith.constant 0 : i32
        %dma_start3A_572 = arith.constant 0 : i32
        %dma_start3A_573 = tpu.memref_slice %arg7[%dma_start3A_570, %dma_start3A_571, %dma_start3A_572] : memref<8x128x32xf32, #tpu.memory_space<vmem>> -> memref<1x128x32xf32, #tpu.memory_space<vmem>>
        %dma_start3A_574 = tpu.memref_squeeze %dma_start3A_573 : memref<1x128x32xf32, #tpu.memory_space<vmem>> -> memref<128x32xf32, #tpu.memory_space<vmem>>
        %dma_start3A_575 = tpu.memref_slice %arg6[%mul3A_569] : memref<25600xi32, #tpu.memory_space<vmem>> -> memref<128xi32, #tpu.memory_space<vmem>>
        %dma_start3A_576 = arith.constant 0 : i32
        %dma_start3A_577 = arith.constant 0 : i32
        %dma_start3A_578 = tpu.memref_slice %arg3[%dma_start3A_576, %dma_start3A_577] : memref<1000000x32xf32, #tpu.memory_space<hbm>> -> memref<1000000x32xf32, #tpu.memory_space<hbm>>
        tpu.enqueue_indirect_dma source(%dma_start3A_578 : memref<1000000x32xf32, #tpu.memory_space<hbm>>) target(%dma_start3A_574 : memref<128x32xf32, #tpu.memory_space<vmem>>) offsets(%dma_start3A_575 : memref<128xi32, #tpu.memory_space<vmem>>) semaphore(%arg10 : memref<!tpu.dma_semaphore, #tpu.memory_space<semaphore_mem>>)
      } else {
      }
      %mul3A_341 = arith.constant 2 : i32
      %mul3A_342 = arith.muli %mul3A_341, %scan3A_220 : i32
      %add3A_343 = arith.constant 0 : i32
      %add3A_344 = arith.addi %mul3A_342, %add3A_343 : i32
      %dma_wait3A_345 = arith.constant 3 : i32
      %dma_wait3A_346 = arith.constant 0 : i32
      %dma_wait3A_347 = arith.constant 0 : i32
      %dma_wait3A_348 = tpu.memref_slice %arg7[%dma_wait3A_345, %dma_wait3A_346, %dma_wait3A_347] : memref<8x128x32xf32, #tpu.memory_space<vmem>> -> memref<1x128x32xf32, #tpu.memory_space<vmem>>
      %dma_wait3A_349 = tpu.memref_squeeze %dma_wait3A_348 : memref<1x128x32xf32, #tpu.memory_space<vmem>> -> memref<128x32xf32, #tpu.memory_space<vmem>>
      %dma_wait3A_350 = arith.constant 0 : i32
      %dma_wait3A_351 = arith.constant 0 : i32
      %dma_wait3A_352 = tpu.memref_slice %arg3[%dma_wait3A_350, %dma_wait3A_351] : memref<1000000x32xf32, #tpu.memory_space<hbm>> -> memref<128x32xf32, #tpu.memory_space<hbm>>
      %dma_wait3A_353 = arith.constant 0 : i32
      %dma_wait3A_354 = arith.constant 0 : i32
      %dma_wait3A_355 = tpu.memref_slice %arg7[%dma_wait3A_345, %dma_wait3A_353, %dma_wait3A_354] : memref<8x128x32xf32, #tpu.memory_space<vmem>> -> memref<1x128x32xf32, #tpu.memory_space<vmem>>
      %dma_wait3A_356 = tpu.memref_squeeze %dma_wait3A_355 : memref<1x128x32xf32, #tpu.memory_space<vmem>> -> memref<128x32xf32, #tpu.memory_space<vmem>>
      %dma_wait3A_357 = arith.constant 0 : i32
      %dma_wait3A_358 = arith.constant 0 : i32
      %dma_wait3A_359 = tpu.memref_slice %arg3[%dma_wait3A_357, %dma_wait3A_358] : memref<1000000x32xf32, #tpu.memory_space<hbm>> -> memref<128x32xf32, #tpu.memory_space<hbm>>
      tpu.wait_dma2 semaphore(%arg11 : memref<!tpu.dma_semaphore, #tpu.memory_space<semaphore_mem>>) src(%dma_wait3A_359 : memref<128x32xf32, #tpu.memory_space<hbm>>) dst(%dma_wait3A_356 : memref<128x32xf32, #tpu.memory_space<vmem>>)
      %add3A_360 = arith.constant 384 : i32
      %add3A_361 = arith.addi %mul3A_2, %add3A_360 : i32
      %dma_start3A_362 = arith.constant 3 : i32
      %dma_start3A_363 = arith.constant 0 : i32
      %dma_start3A_364 = arith.constant 0 : i32
      %dma_start3A_365 = tpu.memref_slice %arg7[%dma_start3A_362, %dma_start3A_363, %dma_start3A_364] : memref<8x128x32xf32, #tpu.memory_space<vmem>> -> memref<1x128x32xf32, #tpu.memory_space<vmem>>
      %dma_start3A_366 = tpu.memref_squeeze %dma_start3A_365 : memref<1x128x32xf32, #tpu.memory_space<vmem>> -> memref<128x32xf32, #tpu.memory_space<vmem>>
      %dma_start3A_367 = arith.constant 0 : i32
      %dma_start3A_368 = tpu.memref_slice %arg4[%add3A_344, %add3A_361, %dma_start3A_367] : memref<50x16384x32xf32, #tpu.memory_space<hbm>> -> memref<1x128x32xf32, #tpu.memory_space<hbm>>
      %dma_start3A_369 = tpu.memref_squeeze %dma_start3A_368 : memref<1x128x32xf32, #tpu.memory_space<hbm>> -> memref<128x32xf32, #tpu.memory_space<hbm>>
      %dma_start3A_370 = arith.constant 0 : i32
      %dma_start3A_371 = tpu.memref_slice %arg4[%add3A_344, %add3A_361, %dma_start3A_370] : memref<50x16384x32xf32, #tpu.memory_space<hbm>> -> memref<1x128x32xf32, #tpu.memory_space<hbm>>
      %dma_start3A_372 = tpu.memref_squeeze %dma_start3A_371 : memref<1x128x32xf32, #tpu.memory_space<hbm>> -> memref<128x32xf32, #tpu.memory_space<hbm>>
      %dma_start3A_373 = arith.constant 0 : i32
      %dma_start3A_374 = arith.constant 0 : i32
      %dma_start3A_375 = tpu.memref_slice %arg7[%dma_start3A_362, %dma_start3A_373, %dma_start3A_374] : memref<8x128x32xf32, #tpu.memory_space<vmem>> -> memref<1x128x32xf32, #tpu.memory_space<vmem>>
      %dma_start3A_376 = tpu.memref_squeeze %dma_start3A_375 : memref<1x128x32xf32, #tpu.memory_space<vmem>> -> memref<128x32xf32, #tpu.memory_space<vmem>>
      tpu.enqueue_dma source(%dma_start3A_376 : memref<128x32xf32, #tpu.memory_space<vmem>>) target(%dma_start3A_372 : memref<128x32xf32, #tpu.memory_space<hbm>>) target_semaphore(%arg19 : memref<!tpu.dma_semaphore, #tpu.memory_space<semaphore_mem>>)
      %lt3A_377 = arith.constant 24 : i32
      %lt3A_378 = arith.cmpi slt, %scan3A_220, %lt3A_377 : i32
      %convert_element_type3A_379 = arith.extui %lt3A_378 : i1 to i32
      %cond3A_380 = arith.constant 0 : i32
      %cond3A_381 = arith.cmpi ne, %convert_element_type3A_379, %cond3A_380 : i32
      scf.if %cond3A_381 {
        %dma_wait3A_546 = arith.constant 3 : i32
        %dma_wait3A_547 = arith.constant 0 : i32
        %dma_wait3A_548 = arith.constant 0 : i32
        %dma_wait3A_549 = arith.constant 0 : i32
        %dma_wait3A_550 = tpu.memref_slice %arg7[%dma_wait3A_546, %dma_wait3A_548, %dma_wait3A_549] : memref<8x128x32xf32, #tpu.memory_space<vmem>> -> memref<1x128x32xf32, #tpu.memory_space<vmem>>
        %dma_wait3A_551 = tpu.memref_squeeze %dma_wait3A_550 : memref<1x128x32xf32, #tpu.memory_space<vmem>> -> memref<128x32xf32, #tpu.memory_space<vmem>>
        %dma_wait3A_552 = arith.constant 0 : i32
        %dma_wait3A_553 = tpu.memref_slice %arg4[%dma_wait3A_547, %mul3A_2, %dma_wait3A_552] : memref<50x16384x32xf32, #tpu.memory_space<hbm>> -> memref<1x128x32xf32, #tpu.memory_space<hbm>>
        %dma_wait3A_554 = tpu.memref_squeeze %dma_wait3A_553 : memref<1x128x32xf32, #tpu.memory_space<hbm>> -> memref<128x32xf32, #tpu.memory_space<hbm>>
        %dma_wait3A_555 = arith.constant 0 : i32
        %dma_wait3A_556 = tpu.memref_slice %arg4[%dma_wait3A_547, %mul3A_2, %dma_wait3A_555] : memref<50x16384x32xf32, #tpu.memory_space<hbm>> -> memref<1x128x32xf32, #tpu.memory_space<hbm>>
        %dma_wait3A_557 = tpu.memref_squeeze %dma_wait3A_556 : memref<1x128x32xf32, #tpu.memory_space<hbm>> -> memref<128x32xf32, #tpu.memory_space<hbm>>
        %dma_wait3A_558 = arith.constant 0 : i32
        %dma_wait3A_559 = arith.constant 0 : i32
        %dma_wait3A_560 = tpu.memref_slice %arg7[%dma_wait3A_546, %dma_wait3A_558, %dma_wait3A_559] : memref<8x128x32xf32, #tpu.memory_space<vmem>> -> memref<1x128x32xf32, #tpu.memory_space<vmem>>
        %dma_wait3A_561 = tpu.memref_squeeze %dma_wait3A_560 : memref<1x128x32xf32, #tpu.memory_space<vmem>> -> memref<128x32xf32, #tpu.memory_space<vmem>>
        tpu.wait_dma2 semaphore(%arg19 : memref<!tpu.dma_semaphore, #tpu.memory_space<semaphore_mem>>) src(%dma_wait3A_561 : memref<128x32xf32, #tpu.memory_space<vmem>>) dst(%dma_wait3A_557 : memref<128x32xf32, #tpu.memory_space<hbm>>)
        %add3A_562 = arith.constant 1 : i32
        %add3A_563 = arith.addi %scan3A_220, %add3A_562 : i32
        %mul3A_564 = arith.constant 8 : i32
        %mul3A_565 = arith.muli %mul3A_564, %add3A_563 : i32
        %add3A_566 = arith.constant 3 : i32
        %add3A_567 = arith.addi %mul3A_565, %add3A_566 : i32
        %mul3A_568 = arith.constant 128 : i32
        %mul3A_569 = arith.muli %add3A_567, %mul3A_568 : i32
        %dma_start3A_570 = arith.constant 3 : i32
        %dma_start3A_571 = arith.constant 0 : i32
        %dma_start3A_572 = arith.constant 0 : i32
        %dma_start3A_573 = tpu.memref_slice %arg7[%dma_start3A_570, %dma_start3A_571, %dma_start3A_572] : memref<8x128x32xf32, #tpu.memory_space<vmem>> -> memref<1x128x32xf32, #tpu.memory_space<vmem>>
        %dma_start3A_574 = tpu.memref_squeeze %dma_start3A_573 : memref<1x128x32xf32, #tpu.memory_space<vmem>> -> memref<128x32xf32, #tpu.memory_space<vmem>>
        %dma_start3A_575 = tpu.memref_slice %arg6[%mul3A_569] : memref<25600xi32, #tpu.memory_space<vmem>> -> memref<128xi32, #tpu.memory_space<vmem>>
        %dma_start3A_576 = arith.constant 0 : i32
        %dma_start3A_577 = arith.constant 0 : i32
        %dma_start3A_578 = tpu.memref_slice %arg3[%dma_start3A_576, %dma_start3A_577] : memref<1000000x32xf32, #tpu.memory_space<hbm>> -> memref<1000000x32xf32, #tpu.memory_space<hbm>>
        tpu.enqueue_indirect_dma source(%dma_start3A_578 : memref<1000000x32xf32, #tpu.memory_space<hbm>>) target(%dma_start3A_574 : memref<128x32xf32, #tpu.memory_space<vmem>>) offsets(%dma_start3A_575 : memref<128xi32, #tpu.memory_space<vmem>>) semaphore(%arg11 : memref<!tpu.dma_semaphore, #tpu.memory_space<semaphore_mem>>)
      } else {
      }
      %mul3A_382 = arith.constant 2 : i32
      %mul3A_383 = arith.muli %mul3A_382, %scan3A_220 : i32
      %add3A_384 = arith.constant 1 : i32
      %add3A_385 = arith.addi %mul3A_383, %add3A_384 : i32
      %dma_wait3A_386 = arith.constant 4 : i32
      %dma_wait3A_387 = arith.constant 0 : i32
      %dma_wait3A_388 = arith.constant 0 : i32
      %dma_wait3A_389 = tpu.memref_slice %arg7[%dma_wait3A_386, %dma_wait3A_387, %dma_wait3A_388] : memref<8x128x32xf32, #tpu.memory_space<vmem>> -> memref<1x128x32xf32, #tpu.memory_space<vmem>>
      %dma_wait3A_390 = tpu.memref_squeeze %dma_wait3A_389 : memref<1x128x32xf32, #tpu.memory_space<vmem>> -> memref<128x32xf32, #tpu.memory_space<vmem>>
      %dma_wait3A_391 = arith.constant 0 : i32
      %dma_wait3A_392 = arith.constant 0 : i32
      %dma_wait3A_393 = tpu.memref_slice %arg3[%dma_wait3A_391, %dma_wait3A_392] : memref<1000000x32xf32, #tpu.memory_space<hbm>> -> memref<128x32xf32, #tpu.memory_space<hbm>>
      %dma_wait3A_394 = arith.constant 0 : i32
      %dma_wait3A_395 = arith.constant 0 : i32
      %dma_wait3A_396 = tpu.memref_slice %arg7[%dma_wait3A_386, %dma_wait3A_394, %dma_wait3A_395] : memref<8x128x32xf32, #tpu.memory_space<vmem>> -> memref<1x128x32xf32, #tpu.memory_space<vmem>>
      %dma_wait3A_397 = tpu.memref_squeeze %dma_wait3A_396 : memref<1x128x32xf32, #tpu.memory_space<vmem>> -> memref<128x32xf32, #tpu.memory_space<vmem>>
      %dma_wait3A_398 = arith.constant 0 : i32
      %dma_wait3A_399 = arith.constant 0 : i32
      %dma_wait3A_400 = tpu.memref_slice %arg3[%dma_wait3A_398, %dma_wait3A_399] : memref<1000000x32xf32, #tpu.memory_space<hbm>> -> memref<128x32xf32, #tpu.memory_space<hbm>>
      tpu.wait_dma2 semaphore(%arg12 : memref<!tpu.dma_semaphore, #tpu.memory_space<semaphore_mem>>) src(%dma_wait3A_400 : memref<128x32xf32, #tpu.memory_space<hbm>>) dst(%dma_wait3A_397 : memref<128x32xf32, #tpu.memory_space<vmem>>)
      %add3A_401 = arith.constant 0 : i32
      %add3A_402 = arith.addi %mul3A_2, %add3A_401 : i32
      %dma_start3A_403 = arith.constant 4 : i32
      %dma_start3A_404 = arith.constant 0 : i32
      %dma_start3A_405 = arith.constant 0 : i32
      %dma_start3A_406 = tpu.memref_slice %arg7[%dma_start3A_403, %dma_start3A_404, %dma_start3A_405] : memref<8x128x32xf32, #tpu.memory_space<vmem>> -> memref<1x128x32xf32, #tpu.memory_space<vmem>>
      %dma_start3A_407 = tpu.memref_squeeze %dma_start3A_406 : memref<1x128x32xf32, #tpu.memory_space<vmem>> -> memref<128x32xf32, #tpu.memory_space<vmem>>
      %dma_start3A_408 = arith.constant 0 : i32
      %dma_start3A_409 = tpu.memref_slice %arg4[%add3A_385, %add3A_402, %dma_start3A_408] : memref<50x16384x32xf32, #tpu.memory_space<hbm>> -> memref<1x128x32xf32, #tpu.memory_space<hbm>>
      %dma_start3A_410 = tpu.memref_squeeze %dma_start3A_409 : memref<1x128x32xf32, #tpu.memory_space<hbm>> -> memref<128x32xf32, #tpu.memory_space<hbm>>
      %dma_start3A_411 = arith.constant 0 : i32
      %dma_start3A_412 = tpu.memref_slice %arg4[%add3A_385, %add3A_402, %dma_start3A_411] : memref<50x16384x32xf32, #tpu.memory_space<hbm>> -> memref<1x128x32xf32, #tpu.memory_space<hbm>>
      %dma_start3A_413 = tpu.memref_squeeze %dma_start3A_412 : memref<1x128x32xf32, #tpu.memory_space<hbm>> -> memref<128x32xf32, #tpu.memory_space<hbm>>
      %dma_start3A_414 = arith.constant 0 : i32
      %dma_start3A_415 = arith.constant 0 : i32
      %dma_start3A_416 = tpu.memref_slice %arg7[%dma_start3A_403, %dma_start3A_414, %dma_start3A_415] : memref<8x128x32xf32, #tpu.memory_space<vmem>> -> memref<1x128x32xf32, #tpu.memory_space<vmem>>
      %dma_start3A_417 = tpu.memref_squeeze %dma_start3A_416 : memref<1x128x32xf32, #tpu.memory_space<vmem>> -> memref<128x32xf32, #tpu.memory_space<vmem>>
      tpu.enqueue_dma source(%dma_start3A_417 : memref<128x32xf32, #tpu.memory_space<vmem>>) target(%dma_start3A_413 : memref<128x32xf32, #tpu.memory_space<hbm>>) target_semaphore(%arg20 : memref<!tpu.dma_semaphore, #tpu.memory_space<semaphore_mem>>)
      %lt3A_418 = arith.constant 24 : i32
      %lt3A_419 = arith.cmpi slt, %scan3A_220, %lt3A_418 : i32
      %convert_element_type3A_420 = arith.extui %lt3A_419 : i1 to i32
      %cond3A_421 = arith.constant 0 : i32
      %cond3A_422 = arith.cmpi ne, %convert_element_type3A_420, %cond3A_421 : i32
      scf.if %cond3A_422 {
        %dma_wait3A_546 = arith.constant 4 : i32
        %dma_wait3A_547 = arith.constant 0 : i32
        %dma_wait3A_548 = arith.constant 0 : i32
        %dma_wait3A_549 = arith.constant 0 : i32
        %dma_wait3A_550 = tpu.memref_slice %arg7[%dma_wait3A_546, %dma_wait3A_548, %dma_wait3A_549] : memref<8x128x32xf32, #tpu.memory_space<vmem>> -> memref<1x128x32xf32, #tpu.memory_space<vmem>>
        %dma_wait3A_551 = tpu.memref_squeeze %dma_wait3A_550 : memref<1x128x32xf32, #tpu.memory_space<vmem>> -> memref<128x32xf32, #tpu.memory_space<vmem>>
        %dma_wait3A_552 = arith.constant 0 : i32
        %dma_wait3A_553 = tpu.memref_slice %arg4[%dma_wait3A_547, %mul3A_2, %dma_wait3A_552] : memref<50x16384x32xf32, #tpu.memory_space<hbm>> -> memref<1x128x32xf32, #tpu.memory_space<hbm>>
        %dma_wait3A_554 = tpu.memref_squeeze %dma_wait3A_553 : memref<1x128x32xf32, #tpu.memory_space<hbm>> -> memref<128x32xf32, #tpu.memory_space<hbm>>
        %dma_wait3A_555 = arith.constant 0 : i32
        %dma_wait3A_556 = tpu.memref_slice %arg4[%dma_wait3A_547, %mul3A_2, %dma_wait3A_555] : memref<50x16384x32xf32, #tpu.memory_space<hbm>> -> memref<1x128x32xf32, #tpu.memory_space<hbm>>
        %dma_wait3A_557 = tpu.memref_squeeze %dma_wait3A_556 : memref<1x128x32xf32, #tpu.memory_space<hbm>> -> memref<128x32xf32, #tpu.memory_space<hbm>>
        %dma_wait3A_558 = arith.constant 0 : i32
        %dma_wait3A_559 = arith.constant 0 : i32
        %dma_wait3A_560 = tpu.memref_slice %arg7[%dma_wait3A_546, %dma_wait3A_558, %dma_wait3A_559] : memref<8x128x32xf32, #tpu.memory_space<vmem>> -> memref<1x128x32xf32, #tpu.memory_space<vmem>>
        %dma_wait3A_561 = tpu.memref_squeeze %dma_wait3A_560 : memref<1x128x32xf32, #tpu.memory_space<vmem>> -> memref<128x32xf32, #tpu.memory_space<vmem>>
        tpu.wait_dma2 semaphore(%arg20 : memref<!tpu.dma_semaphore, #tpu.memory_space<semaphore_mem>>) src(%dma_wait3A_561 : memref<128x32xf32, #tpu.memory_space<vmem>>) dst(%dma_wait3A_557 : memref<128x32xf32, #tpu.memory_space<hbm>>)
        %add3A_562 = arith.constant 1 : i32
        %add3A_563 = arith.addi %scan3A_220, %add3A_562 : i32
        %mul3A_564 = arith.constant 8 : i32
        %mul3A_565 = arith.muli %mul3A_564, %add3A_563 : i32
        %add3A_566 = arith.constant 4 : i32
        %add3A_567 = arith.addi %mul3A_565, %add3A_566 : i32
        %mul3A_568 = arith.constant 128 : i32
        %mul3A_569 = arith.muli %add3A_567, %mul3A_568 : i32
        %dma_start3A_570 = arith.constant 4 : i32
        %dma_start3A_571 = arith.constant 0 : i32
        %dma_start3A_572 = arith.constant 0 : i32
        %dma_start3A_573 = tpu.memref_slice %arg7[%dma_start3A_570, %dma_start3A_571, %dma_start3A_572] : memref<8x128x32xf32, #tpu.memory_space<vmem>> -> memref<1x128x32xf32, #tpu.memory_space<vmem>>
        %dma_start3A_574 = tpu.memref_squeeze %dma_start3A_573 : memref<1x128x32xf32, #tpu.memory_space<vmem>> -> memref<128x32xf32, #tpu.memory_space<vmem>>
        %dma_start3A_575 = tpu.memref_slice %arg6[%mul3A_569] : memref<25600xi32, #tpu.memory_space<vmem>> -> memref<128xi32, #tpu.memory_space<vmem>>
        %dma_start3A_576 = arith.constant 0 : i32
        %dma_start3A_577 = arith.constant 0 : i32
        %dma_start3A_578 = tpu.memref_slice %arg3[%dma_start3A_576, %dma_start3A_577] : memref<1000000x32xf32, #tpu.memory_space<hbm>> -> memref<1000000x32xf32, #tpu.memory_space<hbm>>
        tpu.enqueue_indirect_dma source(%dma_start3A_578 : memref<1000000x32xf32, #tpu.memory_space<hbm>>) target(%dma_start3A_574 : memref<128x32xf32, #tpu.memory_space<vmem>>) offsets(%dma_start3A_575 : memref<128xi32, #tpu.memory_space<vmem>>) semaphore(%arg12 : memref<!tpu.dma_semaphore, #tpu.memory_space<semaphore_mem>>)
      } else {
      }
      %mul3A_423 = arith.constant 2 : i32
      %mul3A_424 = arith.muli %mul3A_423, %scan3A_220 : i32
      %add3A_425 = arith.constant 1 : i32
      %add3A_426 = arith.addi %mul3A_424, %add3A_425 : i32
      %dma_wait3A_427 = arith.constant 5 : i32
      %dma_wait3A_428 = arith.constant 0 : i32
      %dma_wait3A_429 = arith.constant 0 : i32
      %dma_wait3A_430 = tpu.memref_slice %arg7[%dma_wait3A_427, %dma_wait3A_428, %dma_wait3A_429] : memref<8x128x32xf32, #tpu.memory_space<vmem>> -> memref<1x128x32xf32, #tpu.memory_space<vmem>>
      %dma_wait3A_431 = tpu.memref_squeeze %dma_wait3A_430 : memref<1x128x32xf32, #tpu.memory_space<vmem>> -> memref<128x32xf32, #tpu.memory_space<vmem>>
      %dma_wait3A_432 = arith.constant 0 : i32
      %dma_wait3A_433 = arith.constant 0 : i32
      %dma_wait3A_434 = tpu.memref_slice %arg3[%dma_wait3A_432, %dma_wait3A_433] : memref<1000000x32xf32, #tpu.memory_space<hbm>> -> memref<128x32xf32, #tpu.memory_space<hbm>>
      %dma_wait3A_435 = arith.constant 0 : i32
      %dma_wait3A_436 = arith.constant 0 : i32
      %dma_wait3A_437 = tpu.memref_slice %arg7[%dma_wait3A_427, %dma_wait3A_435, %dma_wait3A_436] : memref<8x128x32xf32, #tpu.memory_space<vmem>> -> memref<1x128x32xf32, #tpu.memory_space<vmem>>
      %dma_wait3A_438 = tpu.memref_squeeze %dma_wait3A_437 : memref<1x128x32xf32, #tpu.memory_space<vmem>> -> memref<128x32xf32, #tpu.memory_space<vmem>>
      %dma_wait3A_439 = arith.constant 0 : i32
      %dma_wait3A_440 = arith.constant 0 : i32
      %dma_wait3A_441 = tpu.memref_slice %arg3[%dma_wait3A_439, %dma_wait3A_440] : memref<1000000x32xf32, #tpu.memory_space<hbm>> -> memref<128x32xf32, #tpu.memory_space<hbm>>
      tpu.wait_dma2 semaphore(%arg13 : memref<!tpu.dma_semaphore, #tpu.memory_space<semaphore_mem>>) src(%dma_wait3A_441 : memref<128x32xf32, #tpu.memory_space<hbm>>) dst(%dma_wait3A_438 : memref<128x32xf32, #tpu.memory_space<vmem>>)
      %add3A_442 = arith.constant 128 : i32
      %add3A_443 = arith.addi %mul3A_2, %add3A_442 : i32
      %dma_start3A_444 = arith.constant 5 : i32
      %dma_start3A_445 = arith.constant 0 : i32
      %dma_start3A_446 = arith.constant 0 : i32
      %dma_start3A_447 = tpu.memref_slice %arg7[%dma_start3A_444, %dma_start3A_445, %dma_start3A_446] : memref<8x128x32xf32, #tpu.memory_space<vmem>> -> memref<1x128x32xf32, #tpu.memory_space<vmem>>
      %dma_start3A_448 = tpu.memref_squeeze %dma_start3A_447 : memref<1x128x32xf32, #tpu.memory_space<vmem>> -> memref<128x32xf32, #tpu.memory_space<vmem>>
      %dma_start3A_449 = arith.constant 0 : i32
      %dma_start3A_450 = tpu.memref_slice %arg4[%add3A_426, %add3A_443, %dma_start3A_449] : memref<50x16384x32xf32, #tpu.memory_space<hbm>> -> memref<1x128x32xf32, #tpu.memory_space<hbm>>
      %dma_start3A_451 = tpu.memref_squeeze %dma_start3A_450 : memref<1x128x32xf32, #tpu.memory_space<hbm>> -> memref<128x32xf32, #tpu.memory_space<hbm>>
      %dma_start3A_452 = arith.constant 0 : i32
      %dma_start3A_453 = tpu.memref_slice %arg4[%add3A_426, %add3A_443, %dma_start3A_452] : memref<50x16384x32xf32, #tpu.memory_space<hbm>> -> memref<1x128x32xf32, #tpu.memory_space<hbm>>
      %dma_start3A_454 = tpu.memref_squeeze %dma_start3A_453 : memref<1x128x32xf32, #tpu.memory_space<hbm>> -> memref<128x32xf32, #tpu.memory_space<hbm>>
      %dma_start3A_455 = arith.constant 0 : i32
      %dma_start3A_456 = arith.constant 0 : i32
      %dma_start3A_457 = tpu.memref_slice %arg7[%dma_start3A_444, %dma_start3A_455, %dma_start3A_456] : memref<8x128x32xf32, #tpu.memory_space<vmem>> -> memref<1x128x32xf32, #tpu.memory_space<vmem>>
      %dma_start3A_458 = tpu.memref_squeeze %dma_start3A_457 : memref<1x128x32xf32, #tpu.memory_space<vmem>> -> memref<128x32xf32, #tpu.memory_space<vmem>>
      tpu.enqueue_dma source(%dma_start3A_458 : memref<128x32xf32, #tpu.memory_space<vmem>>) target(%dma_start3A_454 : memref<128x32xf32, #tpu.memory_space<hbm>>) target_semaphore(%arg21 : memref<!tpu.dma_semaphore, #tpu.memory_space<semaphore_mem>>)
      %lt3A_459 = arith.constant 24 : i32
      %lt3A_460 = arith.cmpi slt, %scan3A_220, %lt3A_459 : i32
      %convert_element_type3A_461 = arith.extui %lt3A_460 : i1 to i32
      %cond3A_462 = arith.constant 0 : i32
      %cond3A_463 = arith.cmpi ne, %convert_element_type3A_461, %cond3A_462 : i32
      scf.if %cond3A_463 {
        %dma_wait3A_546 = arith.constant 5 : i32
        %dma_wait3A_547 = arith.constant 0 : i32
        %dma_wait3A_548 = arith.constant 0 : i32
        %dma_wait3A_549 = arith.constant 0 : i32
        %dma_wait3A_550 = tpu.memref_slice %arg7[%dma_wait3A_546, %dma_wait3A_548, %dma_wait3A_549] : memref<8x128x32xf32, #tpu.memory_space<vmem>> -> memref<1x128x32xf32, #tpu.memory_space<vmem>>
        %dma_wait3A_551 = tpu.memref_squeeze %dma_wait3A_550 : memref<1x128x32xf32, #tpu.memory_space<vmem>> -> memref<128x32xf32, #tpu.memory_space<vmem>>
        %dma_wait3A_552 = arith.constant 0 : i32
        %dma_wait3A_553 = tpu.memref_slice %arg4[%dma_wait3A_547, %mul3A_2, %dma_wait3A_552] : memref<50x16384x32xf32, #tpu.memory_space<hbm>> -> memref<1x128x32xf32, #tpu.memory_space<hbm>>
        %dma_wait3A_554 = tpu.memref_squeeze %dma_wait3A_553 : memref<1x128x32xf32, #tpu.memory_space<hbm>> -> memref<128x32xf32, #tpu.memory_space<hbm>>
        %dma_wait3A_555 = arith.constant 0 : i32
        %dma_wait3A_556 = tpu.memref_slice %arg4[%dma_wait3A_547, %mul3A_2, %dma_wait3A_555] : memref<50x16384x32xf32, #tpu.memory_space<hbm>> -> memref<1x128x32xf32, #tpu.memory_space<hbm>>
        %dma_wait3A_557 = tpu.memref_squeeze %dma_wait3A_556 : memref<1x128x32xf32, #tpu.memory_space<hbm>> -> memref<128x32xf32, #tpu.memory_space<hbm>>
        %dma_wait3A_558 = arith.constant 0 : i32
        %dma_wait3A_559 = arith.constant 0 : i32
        %dma_wait3A_560 = tpu.memref_slice %arg7[%dma_wait3A_546, %dma_wait3A_558, %dma_wait3A_559] : memref<8x128x32xf32, #tpu.memory_space<vmem>> -> memref<1x128x32xf32, #tpu.memory_space<vmem>>
        %dma_wait3A_561 = tpu.memref_squeeze %dma_wait3A_560 : memref<1x128x32xf32, #tpu.memory_space<vmem>> -> memref<128x32xf32, #tpu.memory_space<vmem>>
        tpu.wait_dma2 semaphore(%arg21 : memref<!tpu.dma_semaphore, #tpu.memory_space<semaphore_mem>>) src(%dma_wait3A_561 : memref<128x32xf32, #tpu.memory_space<vmem>>) dst(%dma_wait3A_557 : memref<128x32xf32, #tpu.memory_space<hbm>>)
        %add3A_562 = arith.constant 1 : i32
        %add3A_563 = arith.addi %scan3A_220, %add3A_562 : i32
        %mul3A_564 = arith.constant 8 : i32
        %mul3A_565 = arith.muli %mul3A_564, %add3A_563 : i32
        %add3A_566 = arith.constant 5 : i32
        %add3A_567 = arith.addi %mul3A_565, %add3A_566 : i32
        %mul3A_568 = arith.constant 128 : i32
        %mul3A_569 = arith.muli %add3A_567, %mul3A_568 : i32
        %dma_start3A_570 = arith.constant 5 : i32
        %dma_start3A_571 = arith.constant 0 : i32
        %dma_start3A_572 = arith.constant 0 : i32
        %dma_start3A_573 = tpu.memref_slice %arg7[%dma_start3A_570, %dma_start3A_571, %dma_start3A_572] : memref<8x128x32xf32, #tpu.memory_space<vmem>> -> memref<1x128x32xf32, #tpu.memory_space<vmem>>
        %dma_start3A_574 = tpu.memref_squeeze %dma_start3A_573 : memref<1x128x32xf32, #tpu.memory_space<vmem>> -> memref<128x32xf32, #tpu.memory_space<vmem>>
        %dma_start3A_575 = tpu.memref_slice %arg6[%mul3A_569] : memref<25600xi32, #tpu.memory_space<vmem>> -> memref<128xi32, #tpu.memory_space<vmem>>
        %dma_start3A_576 = arith.constant 0 : i32
        %dma_start3A_577 = arith.constant 0 : i32
        %dma_start3A_578 = tpu.memref_slice %arg3[%dma_start3A_576, %dma_start3A_577] : memref<1000000x32xf32, #tpu.memory_space<hbm>> -> memref<1000000x32xf32, #tpu.memory_space<hbm>>
        tpu.enqueue_indirect_dma source(%dma_start3A_578 : memref<1000000x32xf32, #tpu.memory_space<hbm>>) target(%dma_start3A_574 : memref<128x32xf32, #tpu.memory_space<vmem>>) offsets(%dma_start3A_575 : memref<128xi32, #tpu.memory_space<vmem>>) semaphore(%arg13 : memref<!tpu.dma_semaphore, #tpu.memory_space<semaphore_mem>>)
      } else {
      }
      %mul3A_464 = arith.constant 2 : i32
      %mul3A_465 = arith.muli %mul3A_464, %scan3A_220 : i32
      %add3A_466 = arith.constant 1 : i32
      %add3A_467 = arith.addi %mul3A_465, %add3A_466 : i32
      %dma_wait3A_468 = arith.constant 6 : i32
      %dma_wait3A_469 = arith.constant 0 : i32
      %dma_wait3A_470 = arith.constant 0 : i32
      %dma_wait3A_471 = tpu.memref_slice %arg7[%dma_wait3A_468, %dma_wait3A_469, %dma_wait3A_470] : memref<8x128x32xf32, #tpu.memory_space<vmem>> -> memref<1x128x32xf32, #tpu.memory_space<vmem>>
      %dma_wait3A_472 = tpu.memref_squeeze %dma_wait3A_471 : memref<1x128x32xf32, #tpu.memory_space<vmem>> -> memref<128x32xf32, #tpu.memory_space<vmem>>
      %dma_wait3A_473 = arith.constant 0 : i32
      %dma_wait3A_474 = arith.constant 0 : i32
      %dma_wait3A_475 = tpu.memref_slice %arg3[%dma_wait3A_473, %dma_wait3A_474] : memref<1000000x32xf32, #tpu.memory_space<hbm>> -> memref<128x32xf32, #tpu.memory_space<hbm>>
      %dma_wait3A_476 = arith.constant 0 : i32
      %dma_wait3A_477 = arith.constant 0 : i32
      %dma_wait3A_478 = tpu.memref_slice %arg7[%dma_wait3A_468, %dma_wait3A_476, %dma_wait3A_477] : memref<8x128x32xf32, #tpu.memory_space<vmem>> -> memref<1x128x32xf32, #tpu.memory_space<vmem>>
      %dma_wait3A_479 = tpu.memref_squeeze %dma_wait3A_478 : memref<1x128x32xf32, #tpu.memory_space<vmem>> -> memref<128x32xf32, #tpu.memory_space<vmem>>
      %dma_wait3A_480 = arith.constant 0 : i32
      %dma_wait3A_481 = arith.constant 0 : i32
      %dma_wait3A_482 = tpu.memref_slice %arg3[%dma_wait3A_480, %dma_wait3A_481] : memref<1000000x32xf32, #tpu.memory_space<hbm>> -> memref<128x32xf32, #tpu.memory_space<hbm>>
      tpu.wait_dma2 semaphore(%arg14 : memref<!tpu.dma_semaphore, #tpu.memory_space<semaphore_mem>>) src(%dma_wait3A_482 : memref<128x32xf32, #tpu.memory_space<hbm>>) dst(%dma_wait3A_479 : memref<128x32xf32, #tpu.memory_space<vmem>>)
      %add3A_483 = arith.constant 256 : i32
      %add3A_484 = arith.addi %mul3A_2, %add3A_483 : i32
      %dma_start3A_485 = arith.constant 6 : i32
      %dma_start3A_486 = arith.constant 0 : i32
      %dma_start3A_487 = arith.constant 0 : i32
      %dma_start3A_488 = tpu.memref_slice %arg7[%dma_start3A_485, %dma_start3A_486, %dma_start3A_487] : memref<8x128x32xf32, #tpu.memory_space<vmem>> -> memref<1x128x32xf32, #tpu.memory_space<vmem>>
      %dma_start3A_489 = tpu.memref_squeeze %dma_start3A_488 : memref<1x128x32xf32, #tpu.memory_space<vmem>> -> memref<128x32xf32, #tpu.memory_space<vmem>>
      %dma_start3A_490 = arith.constant 0 : i32
      %dma_start3A_491 = tpu.memref_slice %arg4[%add3A_467, %add3A_484, %dma_start3A_490] : memref<50x16384x32xf32, #tpu.memory_space<hbm>> -> memref<1x128x32xf32, #tpu.memory_space<hbm>>
      %dma_start3A_492 = tpu.memref_squeeze %dma_start3A_491 : memref<1x128x32xf32, #tpu.memory_space<hbm>> -> memref<128x32xf32, #tpu.memory_space<hbm>>
      %dma_start3A_493 = arith.constant 0 : i32
      %dma_start3A_494 = tpu.memref_slice %arg4[%add3A_467, %add3A_484, %dma_start3A_493] : memref<50x16384x32xf32, #tpu.memory_space<hbm>> -> memref<1x128x32xf32, #tpu.memory_space<hbm>>
      %dma_start3A_495 = tpu.memref_squeeze %dma_start3A_494 : memref<1x128x32xf32, #tpu.memory_space<hbm>> -> memref<128x32xf32, #tpu.memory_space<hbm>>
      %dma_start3A_496 = arith.constant 0 : i32
      %dma_start3A_497 = arith.constant 0 : i32
      %dma_start3A_498 = tpu.memref_slice %arg7[%dma_start3A_485, %dma_start3A_496, %dma_start3A_497] : memref<8x128x32xf32, #tpu.memory_space<vmem>> -> memref<1x128x32xf32, #tpu.memory_space<vmem>>
      %dma_start3A_499 = tpu.memref_squeeze %dma_start3A_498 : memref<1x128x32xf32, #tpu.memory_space<vmem>> -> memref<128x32xf32, #tpu.memory_space<vmem>>
      tpu.enqueue_dma source(%dma_start3A_499 : memref<128x32xf32, #tpu.memory_space<vmem>>) target(%dma_start3A_495 : memref<128x32xf32, #tpu.memory_space<hbm>>) target_semaphore(%arg22 : memref<!tpu.dma_semaphore, #tpu.memory_space<semaphore_mem>>)
      %lt3A_500 = arith.constant 24 : i32
      %lt3A_501 = arith.cmpi slt, %scan3A_220, %lt3A_500 : i32
      %convert_element_type3A_502 = arith.extui %lt3A_501 : i1 to i32
      %cond3A_503 = arith.constant 0 : i32
      %cond3A_504 = arith.cmpi ne, %convert_element_type3A_502, %cond3A_503 : i32
      scf.if %cond3A_504 {
        %dma_wait3A_546 = arith.constant 6 : i32
        %dma_wait3A_547 = arith.constant 0 : i32
        %dma_wait3A_548 = arith.constant 0 : i32
        %dma_wait3A_549 = arith.constant 0 : i32
        %dma_wait3A_550 = tpu.memref_slice %arg7[%dma_wait3A_546, %dma_wait3A_548, %dma_wait3A_549] : memref<8x128x32xf32, #tpu.memory_space<vmem>> -> memref<1x128x32xf32, #tpu.memory_space<vmem>>
        %dma_wait3A_551 = tpu.memref_squeeze %dma_wait3A_550 : memref<1x128x32xf32, #tpu.memory_space<vmem>> -> memref<128x32xf32, #tpu.memory_space<vmem>>
        %dma_wait3A_552 = arith.constant 0 : i32
        %dma_wait3A_553 = tpu.memref_slice %arg4[%dma_wait3A_547, %mul3A_2, %dma_wait3A_552] : memref<50x16384x32xf32, #tpu.memory_space<hbm>> -> memref<1x128x32xf32, #tpu.memory_space<hbm>>
        %dma_wait3A_554 = tpu.memref_squeeze %dma_wait3A_553 : memref<1x128x32xf32, #tpu.memory_space<hbm>> -> memref<128x32xf32, #tpu.memory_space<hbm>>
        %dma_wait3A_555 = arith.constant 0 : i32
        %dma_wait3A_556 = tpu.memref_slice %arg4[%dma_wait3A_547, %mul3A_2, %dma_wait3A_555] : memref<50x16384x32xf32, #tpu.memory_space<hbm>> -> memref<1x128x32xf32, #tpu.memory_space<hbm>>
        %dma_wait3A_557 = tpu.memref_squeeze %dma_wait3A_556 : memref<1x128x32xf32, #tpu.memory_space<hbm>> -> memref<128x32xf32, #tpu.memory_space<hbm>>
        %dma_wait3A_558 = arith.constant 0 : i32
        %dma_wait3A_559 = arith.constant 0 : i32
        %dma_wait3A_560 = tpu.memref_slice %arg7[%dma_wait3A_546, %dma_wait3A_558, %dma_wait3A_559] : memref<8x128x32xf32, #tpu.memory_space<vmem>> -> memref<1x128x32xf32, #tpu.memory_space<vmem>>
        %dma_wait3A_561 = tpu.memref_squeeze %dma_wait3A_560 : memref<1x128x32xf32, #tpu.memory_space<vmem>> -> memref<128x32xf32, #tpu.memory_space<vmem>>
        tpu.wait_dma2 semaphore(%arg22 : memref<!tpu.dma_semaphore, #tpu.memory_space<semaphore_mem>>) src(%dma_wait3A_561 : memref<128x32xf32, #tpu.memory_space<vmem>>) dst(%dma_wait3A_557 : memref<128x32xf32, #tpu.memory_space<hbm>>)
        %add3A_562 = arith.constant 1 : i32
        %add3A_563 = arith.addi %scan3A_220, %add3A_562 : i32
        %mul3A_564 = arith.constant 8 : i32
        %mul3A_565 = arith.muli %mul3A_564, %add3A_563 : i32
        %add3A_566 = arith.constant 6 : i32
        %add3A_567 = arith.addi %mul3A_565, %add3A_566 : i32
        %mul3A_568 = arith.constant 128 : i32
        %mul3A_569 = arith.muli %add3A_567, %mul3A_568 : i32
        %dma_start3A_570 = arith.constant 6 : i32
        %dma_start3A_571 = arith.constant 0 : i32
        %dma_start3A_572 = arith.constant 0 : i32
        %dma_start3A_573 = tpu.memref_slice %arg7[%dma_start3A_570, %dma_start3A_571, %dma_start3A_572] : memref<8x128x32xf32, #tpu.memory_space<vmem>> -> memref<1x128x32xf32, #tpu.memory_space<vmem>>
        %dma_start3A_574 = tpu.memref_squeeze %dma_start3A_573 : memref<1x128x32xf32, #tpu.memory_space<vmem>> -> memref<128x32xf32, #tpu.memory_space<vmem>>
        %dma_start3A_575 = tpu.memref_slice %arg6[%mul3A_569] : memref<25600xi32, #tpu.memory_space<vmem>> -> memref<128xi32, #tpu.memory_space<vmem>>
        %dma_start3A_576 = arith.constant 0 : i32
        %dma_start3A_577 = arith.constant 0 : i32
        %dma_start3A_578 = tpu.memref_slice %arg3[%dma_start3A_576, %dma_start3A_577] : memref<1000000x32xf32, #tpu.memory_space<hbm>> -> memref<1000000x32xf32, #tpu.memory_space<hbm>>
        tpu.enqueue_indirect_dma source(%dma_start3A_578 : memref<1000000x32xf32, #tpu.memory_space<hbm>>) target(%dma_start3A_574 : memref<128x32xf32, #tpu.memory_space<vmem>>) offsets(%dma_start3A_575 : memref<128xi32, #tpu.memory_space<vmem>>) semaphore(%arg14 : memref<!tpu.dma_semaphore, #tpu.memory_space<semaphore_mem>>)
      } else {
      }
      %mul3A_505 = arith.constant 2 : i32
      %mul3A_506 = arith.muli %mul3A_505, %scan3A_220 : i32
      %add3A_507 = arith.constant 1 : i32
      %add3A_508 = arith.addi %mul3A_506, %add3A_507 : i32
      %dma_wait3A_509 = arith.constant 7 : i32
      %dma_wait3A_510 = arith.constant 0 : i32
      %dma_wait3A_511 = arith.constant 0 : i32
      %dma_wait3A_512 = tpu.memref_slice %arg7[%dma_wait3A_509, %dma_wait3A_510, %dma_wait3A_511] : memref<8x128x32xf32, #tpu.memory_space<vmem>> -> memref<1x128x32xf32, #tpu.memory_space<vmem>>
      %dma_wait3A_513 = tpu.memref_squeeze %dma_wait3A_512 : memref<1x128x32xf32, #tpu.memory_space<vmem>> -> memref<128x32xf32, #tpu.memory_space<vmem>>
      %dma_wait3A_514 = arith.constant 0 : i32
      %dma_wait3A_515 = arith.constant 0 : i32
      %dma_wait3A_516 = tpu.memref_slice %arg3[%dma_wait3A_514, %dma_wait3A_515] : memref<1000000x32xf32, #tpu.memory_space<hbm>> -> memref<128x32xf32, #tpu.memory_space<hbm>>
      %dma_wait3A_517 = arith.constant 0 : i32
      %dma_wait3A_518 = arith.constant 0 : i32
      %dma_wait3A_519 = tpu.memref_slice %arg7[%dma_wait3A_509, %dma_wait3A_517, %dma_wait3A_518] : memref<8x128x32xf32, #tpu.memory_space<vmem>> -> memref<1x128x32xf32, #tpu.memory_space<vmem>>
      %dma_wait3A_520 = tpu.memref_squeeze %dma_wait3A_519 : memref<1x128x32xf32, #tpu.memory_space<vmem>> -> memref<128x32xf32, #tpu.memory_space<vmem>>
      %dma_wait3A_521 = arith.constant 0 : i32
      %dma_wait3A_522 = arith.constant 0 : i32
      %dma_wait3A_523 = tpu.memref_slice %arg3[%dma_wait3A_521, %dma_wait3A_522] : memref<1000000x32xf32, #tpu.memory_space<hbm>> -> memref<128x32xf32, #tpu.memory_space<hbm>>
      tpu.wait_dma2 semaphore(%arg15 : memref<!tpu.dma_semaphore, #tpu.memory_space<semaphore_mem>>) src(%dma_wait3A_523 : memref<128x32xf32, #tpu.memory_space<hbm>>) dst(%dma_wait3A_520 : memref<128x32xf32, #tpu.memory_space<vmem>>)
      %add3A_524 = arith.constant 384 : i32
      %add3A_525 = arith.addi %mul3A_2, %add3A_524 : i32
      %dma_start3A_526 = arith.constant 7 : i32
      %dma_start3A_527 = arith.constant 0 : i32
      %dma_start3A_528 = arith.constant 0 : i32
      %dma_start3A_529 = tpu.memref_slice %arg7[%dma_start3A_526, %dma_start3A_527, %dma_start3A_528] : memref<8x128x32xf32, #tpu.memory_space<vmem>> -> memref<1x128x32xf32, #tpu.memory_space<vmem>>
      %dma_start3A_530 = tpu.memref_squeeze %dma_start3A_529 : memref<1x128x32xf32, #tpu.memory_space<vmem>> -> memref<128x32xf32, #tpu.memory_space<vmem>>
      %dma_start3A_531 = arith.constant 0 : i32
      %dma_start3A_532 = tpu.memref_slice %arg4[%add3A_508, %add3A_525, %dma_start3A_531] : memref<50x16384x32xf32, #tpu.memory_space<hbm>> -> memref<1x128x32xf32, #tpu.memory_space<hbm>>
      %dma_start3A_533 = tpu.memref_squeeze %dma_start3A_532 : memref<1x128x32xf32, #tpu.memory_space<hbm>> -> memref<128x32xf32, #tpu.memory_space<hbm>>
      %dma_start3A_534 = arith.constant 0 : i32
      %dma_start3A_535 = tpu.memref_slice %arg4[%add3A_508, %add3A_525, %dma_start3A_534] : memref<50x16384x32xf32, #tpu.memory_space<hbm>> -> memref<1x128x32xf32, #tpu.memory_space<hbm>>
      %dma_start3A_536 = tpu.memref_squeeze %dma_start3A_535 : memref<1x128x32xf32, #tpu.memory_space<hbm>> -> memref<128x32xf32, #tpu.memory_space<hbm>>
      %dma_start3A_537 = arith.constant 0 : i32
      %dma_start3A_538 = arith.constant 0 : i32
      %dma_start3A_539 = tpu.memref_slice %arg7[%dma_start3A_526, %dma_start3A_537, %dma_start3A_538] : memref<8x128x32xf32, #tpu.memory_space<vmem>> -> memref<1x128x32xf32, #tpu.memory_space<vmem>>
      %dma_start3A_540 = tpu.memref_squeeze %dma_start3A_539 : memref<1x128x32xf32, #tpu.memory_space<vmem>> -> memref<128x32xf32, #tpu.memory_space<vmem>>
      tpu.enqueue_dma source(%dma_start3A_540 : memref<128x32xf32, #tpu.memory_space<vmem>>) target(%dma_start3A_536 : memref<128x32xf32, #tpu.memory_space<hbm>>) target_semaphore(%arg23 : memref<!tpu.dma_semaphore, #tpu.memory_space<semaphore_mem>>)
      %lt3A_541 = arith.constant 24 : i32
      %lt3A_542 = arith.cmpi slt, %scan3A_220, %lt3A_541 : i32
      %convert_element_type3A_543 = arith.extui %lt3A_542 : i1 to i32
      %cond3A_544 = arith.constant 0 : i32
      %cond3A_545 = arith.cmpi ne, %convert_element_type3A_543, %cond3A_544 : i32
      scf.if %cond3A_545 {
        %dma_wait3A_546 = arith.constant 7 : i32
        %dma_wait3A_547 = arith.constant 0 : i32
        %dma_wait3A_548 = arith.constant 0 : i32
        %dma_wait3A_549 = arith.constant 0 : i32
        %dma_wait3A_550 = tpu.memref_slice %arg7[%dma_wait3A_546, %dma_wait3A_548, %dma_wait3A_549] : memref<8x128x32xf32, #tpu.memory_space<vmem>> -> memref<1x128x32xf32, #tpu.memory_space<vmem>>
        %dma_wait3A_551 = tpu.memref_squeeze %dma_wait3A_550 : memref<1x128x32xf32, #tpu.memory_space<vmem>> -> memref<128x32xf32, #tpu.memory_space<vmem>>
        %dma_wait3A_552 = arith.constant 0 : i32
        %dma_wait3A_553 = tpu.memref_slice %arg4[%dma_wait3A_547, %mul3A_2, %dma_wait3A_552] : memref<50x16384x32xf32, #tpu.memory_space<hbm>> -> memref<1x128x32xf32, #tpu.memory_space<hbm>>
        %dma_wait3A_554 = tpu.memref_squeeze %dma_wait3A_553 : memref<1x128x32xf32, #tpu.memory_space<hbm>> -> memref<128x32xf32, #tpu.memory_space<hbm>>
        %dma_wait3A_555 = arith.constant 0 : i32
        %dma_wait3A_556 = tpu.memref_slice %arg4[%dma_wait3A_547, %mul3A_2, %dma_wait3A_555] : memref<50x16384x32xf32, #tpu.memory_space<hbm>> -> memref<1x128x32xf32, #tpu.memory_space<hbm>>
        %dma_wait3A_557 = tpu.memref_squeeze %dma_wait3A_556 : memref<1x128x32xf32, #tpu.memory_space<hbm>> -> memref<128x32xf32, #tpu.memory_space<hbm>>
        %dma_wait3A_558 = arith.constant 0 : i32
        %dma_wait3A_559 = arith.constant 0 : i32
        %dma_wait3A_560 = tpu.memref_slice %arg7[%dma_wait3A_546, %dma_wait3A_558, %dma_wait3A_559] : memref<8x128x32xf32, #tpu.memory_space<vmem>> -> memref<1x128x32xf32, #tpu.memory_space<vmem>>
        %dma_wait3A_561 = tpu.memref_squeeze %dma_wait3A_560 : memref<1x128x32xf32, #tpu.memory_space<vmem>> -> memref<128x32xf32, #tpu.memory_space<vmem>>
        tpu.wait_dma2 semaphore(%arg23 : memref<!tpu.dma_semaphore, #tpu.memory_space<semaphore_mem>>) src(%dma_wait3A_561 : memref<128x32xf32, #tpu.memory_space<vmem>>) dst(%dma_wait3A_557 : memref<128x32xf32, #tpu.memory_space<hbm>>)
        %add3A_562 = arith.constant 1 : i32
        %add3A_563 = arith.addi %scan3A_220, %add3A_562 : i32
        %mul3A_564 = arith.constant 8 : i32
        %mul3A_565 = arith.muli %mul3A_564, %add3A_563 : i32
        %add3A_566 = arith.constant 7 : i32
        %add3A_567 = arith.addi %mul3A_565, %add3A_566 : i32
        %mul3A_568 = arith.constant 128 : i32
        %mul3A_569 = arith.muli %add3A_567, %mul3A_568 : i32
        %dma_start3A_570 = arith.constant 7 : i32
        %dma_start3A_571 = arith.constant 0 : i32
        %dma_start3A_572 = arith.constant 0 : i32
        %dma_start3A_573 = tpu.memref_slice %arg7[%dma_start3A_570, %dma_start3A_571, %dma_start3A_572] : memref<8x128x32xf32, #tpu.memory_space<vmem>> -> memref<1x128x32xf32, #tpu.memory_space<vmem>>
        %dma_start3A_574 = tpu.memref_squeeze %dma_start3A_573 : memref<1x128x32xf32, #tpu.memory_space<vmem>> -> memref<128x32xf32, #tpu.memory_space<vmem>>
        %dma_start3A_575 = tpu.memref_slice %arg6[%mul3A_569] : memref<25600xi32, #tpu.memory_space<vmem>> -> memref<128xi32, #tpu.memory_space<vmem>>
        %dma_start3A_576 = arith.constant 0 : i32
        %dma_start3A_577 = arith.constant 0 : i32
        %dma_start3A_578 = tpu.memref_slice %arg3[%dma_start3A_576, %dma_start3A_577] : memref<1000000x32xf32, #tpu.memory_space<hbm>> -> memref<1000000x32xf32, #tpu.memory_space<hbm>>
        tpu.enqueue_indirect_dma source(%dma_start3A_578 : memref<1000000x32xf32, #tpu.memory_space<hbm>>) target(%dma_start3A_574 : memref<128x32xf32, #tpu.memory_space<vmem>>) offsets(%dma_start3A_575 : memref<128xi32, #tpu.memory_space<vmem>>) semaphore(%arg15 : memref<!tpu.dma_semaphore, #tpu.memory_space<semaphore_mem>>)
      } else {
      }
    }
    %scan3A_92 = arith.constant 25 : i32
    %dma_wait3A = arith.constant 0 : i32
    %dma_wait3A_93 = arith.constant 0 : i32
    %dma_wait3A_94 = arith.constant 0 : i32
    %dma_wait3A_95 = arith.constant 0 : i32
    %dma_wait3A_96 = tpu.memref_slice %arg7[%dma_wait3A, %dma_wait3A_94, %dma_wait3A_95] : memref<8x128x32xf32, #tpu.memory_space<vmem>> -> memref<1x128x32xf32, #tpu.memory_space<vmem>>
    %dma_wait3A_97 = tpu.memref_squeeze %dma_wait3A_96 : memref<1x128x32xf32, #tpu.memory_space<vmem>> -> memref<128x32xf32, #tpu.memory_space<vmem>>
    %dma_wait3A_98 = arith.constant 0 : i32
    %dma_wait3A_99 = tpu.memref_slice %arg4[%dma_wait3A_93, %mul3A_2, %dma_wait3A_98] : memref<50x16384x32xf32, #tpu.memory_space<hbm>> -> memref<1x128x32xf32, #tpu.memory_space<hbm>>
    %dma_wait3A_100 = tpu.memref_squeeze %dma_wait3A_99 : memref<1x128x32xf32, #tpu.memory_space<hbm>> -> memref<128x32xf32, #tpu.memory_space<hbm>>
    %dma_wait3A_101 = arith.constant 0 : i32
    %dma_wait3A_102 = tpu.memref_slice %arg4[%dma_wait3A_93, %mul3A_2, %dma_wait3A_101] : memref<50x16384x32xf32, #tpu.memory_space<hbm>> -> memref<1x128x32xf32, #tpu.memory_space<hbm>>
    %dma_wait3A_103 = tpu.memref_squeeze %dma_wait3A_102 : memref<1x128x32xf32, #tpu.memory_space<hbm>> -> memref<128x32xf32, #tpu.memory_space<hbm>>
    %dma_wait3A_104 = arith.constant 0 : i32
    %dma_wait3A_105 = arith.constant 0 : i32
    %dma_wait3A_106 = tpu.memref_slice %arg7[%dma_wait3A, %dma_wait3A_104, %dma_wait3A_105] : memref<8x128x32xf32, #tpu.memory_space<vmem>> -> memref<1x128x32xf32, #tpu.memory_space<vmem>>
    %dma_wait3A_107 = tpu.memref_squeeze %dma_wait3A_106 : memref<1x128x32xf32, #tpu.memory_space<vmem>> -> memref<128x32xf32, #tpu.memory_space<vmem>>
    tpu.wait_dma2 semaphore(%arg16 : memref<!tpu.dma_semaphore, #tpu.memory_space<semaphore_mem>>) src(%dma_wait3A_107 : memref<128x32xf32, #tpu.memory_space<vmem>>) dst(%dma_wait3A_103 : memref<128x32xf32, #tpu.memory_space<hbm>>)
    %dma_wait3A_108 = arith.constant 1 : i32
    %dma_wait3A_109 = arith.constant 0 : i32
    %dma_wait3A_110 = arith.constant 0 : i32
    %dma_wait3A_111 = arith.constant 0 : i32
    %dma_wait3A_112 = tpu.memref_slice %arg7[%dma_wait3A_108, %dma_wait3A_110, %dma_wait3A_111] : memref<8x128x32xf32, #tpu.memory_space<vmem>> -> memref<1x128x32xf32, #tpu.memory_space<vmem>>
    %dma_wait3A_113 = tpu.memref_squeeze %dma_wait3A_112 : memref<1x128x32xf32, #tpu.memory_space<vmem>> -> memref<128x32xf32, #tpu.memory_space<vmem>>
    %dma_wait3A_114 = arith.constant 0 : i32
    %dma_wait3A_115 = tpu.memref_slice %arg4[%dma_wait3A_109, %mul3A_2, %dma_wait3A_114] : memref<50x16384x32xf32, #tpu.memory_space<hbm>> -> memref<1x128x32xf32, #tpu.memory_space<hbm>>
    %dma_wait3A_116 = tpu.memref_squeeze %dma_wait3A_115 : memref<1x128x32xf32, #tpu.memory_space<hbm>> -> memref<128x32xf32, #tpu.memory_space<hbm>>
    %dma_wait3A_117 = arith.constant 0 : i32
    %dma_wait3A_118 = tpu.memref_slice %arg4[%dma_wait3A_109, %mul3A_2, %dma_wait3A_117] : memref<50x16384x32xf32, #tpu.memory_space<hbm>> -> memref<1x128x32xf32, #tpu.memory_space<hbm>>
    %dma_wait3A_119 = tpu.memref_squeeze %dma_wait3A_118 : memref<1x128x32xf32, #tpu.memory_space<hbm>> -> memref<128x32xf32, #tpu.memory_space<hbm>>
    %dma_wait3A_120 = arith.constant 0 : i32
    %dma_wait3A_121 = arith.constant 0 : i32
    %dma_wait3A_122 = tpu.memref_slice %arg7[%dma_wait3A_108, %dma_wait3A_120, %dma_wait3A_121] : memref<8x128x32xf32, #tpu.memory_space<vmem>> -> memref<1x128x32xf32, #tpu.memory_space<vmem>>
    %dma_wait3A_123 = tpu.memref_squeeze %dma_wait3A_122 : memref<1x128x32xf32, #tpu.memory_space<vmem>> -> memref<128x32xf32, #tpu.memory_space<vmem>>
    tpu.wait_dma2 semaphore(%arg17 : memref<!tpu.dma_semaphore, #tpu.memory_space<semaphore_mem>>) src(%dma_wait3A_123 : memref<128x32xf32, #tpu.memory_space<vmem>>) dst(%dma_wait3A_119 : memref<128x32xf32, #tpu.memory_space<hbm>>)
    %dma_wait3A_124 = arith.constant 2 : i32
    %dma_wait3A_125 = arith.constant 0 : i32
    %dma_wait3A_126 = arith.constant 0 : i32
    %dma_wait3A_127 = arith.constant 0 : i32
    %dma_wait3A_128 = tpu.memref_slice %arg7[%dma_wait3A_124, %dma_wait3A_126, %dma_wait3A_127] : memref<8x128x32xf32, #tpu.memory_space<vmem>> -> memref<1x128x32xf32, #tpu.memory_space<vmem>>
    %dma_wait3A_129 = tpu.memref_squeeze %dma_wait3A_128 : memref<1x128x32xf32, #tpu.memory_space<vmem>> -> memref<128x32xf32, #tpu.memory_space<vmem>>
    %dma_wait3A_130 = arith.constant 0 : i32
    %dma_wait3A_131 = tpu.memref_slice %arg4[%dma_wait3A_125, %mul3A_2, %dma_wait3A_130] : memref<50x16384x32xf32, #tpu.memory_space<hbm>> -> memref<1x128x32xf32, #tpu.memory_space<hbm>>
    %dma_wait3A_132 = tpu.memref_squeeze %dma_wait3A_131 : memref<1x128x32xf32, #tpu.memory_space<hbm>> -> memref<128x32xf32, #tpu.memory_space<hbm>>
    %dma_wait3A_133 = arith.constant 0 : i32
    %dma_wait3A_134 = tpu.memref_slice %arg4[%dma_wait3A_125, %mul3A_2, %dma_wait3A_133] : memref<50x16384x32xf32, #tpu.memory_space<hbm>> -> memref<1x128x32xf32, #tpu.memory_space<hbm>>
    %dma_wait3A_135 = tpu.memref_squeeze %dma_wait3A_134 : memref<1x128x32xf32, #tpu.memory_space<hbm>> -> memref<128x32xf32, #tpu.memory_space<hbm>>
    %dma_wait3A_136 = arith.constant 0 : i32
    %dma_wait3A_137 = arith.constant 0 : i32
    %dma_wait3A_138 = tpu.memref_slice %arg7[%dma_wait3A_124, %dma_wait3A_136, %dma_wait3A_137] : memref<8x128x32xf32, #tpu.memory_space<vmem>> -> memref<1x128x32xf32, #tpu.memory_space<vmem>>
    %dma_wait3A_139 = tpu.memref_squeeze %dma_wait3A_138 : memref<1x128x32xf32, #tpu.memory_space<vmem>> -> memref<128x32xf32, #tpu.memory_space<vmem>>
    tpu.wait_dma2 semaphore(%arg18 : memref<!tpu.dma_semaphore, #tpu.memory_space<semaphore_mem>>) src(%dma_wait3A_139 : memref<128x32xf32, #tpu.memory_space<vmem>>) dst(%dma_wait3A_135 : memref<128x32xf32, #tpu.memory_space<hbm>>)
    %dma_wait3A_140 = arith.constant 3 : i32
    %dma_wait3A_141 = arith.constant 0 : i32
    %dma_wait3A_142 = arith.constant 0 : i32
    %dma_wait3A_143 = arith.constant 0 : i32
    %dma_wait3A_144 = tpu.memref_slice %arg7[%dma_wait3A_140, %dma_wait3A_142, %dma_wait3A_143] : memref<8x128x32xf32, #tpu.memory_space<vmem>> -> memref<1x128x32xf32, #tpu.memory_space<vmem>>
    %dma_wait3A_145 = tpu.memref_squeeze %dma_wait3A_144 : memref<1x128x32xf32, #tpu.memory_space<vmem>> -> memref<128x32xf32, #tpu.memory_space<vmem>>
    %dma_wait3A_146 = arith.constant 0 : i32
    %dma_wait3A_147 = tpu.memref_slice %arg4[%dma_wait3A_141, %mul3A_2, %dma_wait3A_146] : memref<50x16384x32xf32, #tpu.memory_space<hbm>> -> memref<1x128x32xf32, #tpu.memory_space<hbm>>
    %dma_wait3A_148 = tpu.memref_squeeze %dma_wait3A_147 : memref<1x128x32xf32, #tpu.memory_space<hbm>> -> memref<128x32xf32, #tpu.memory_space<hbm>>
    %dma_wait3A_149 = arith.constant 0 : i32
    %dma_wait3A_150 = tpu.memref_slice %arg4[%dma_wait3A_141, %mul3A_2, %dma_wait3A_149] : memref<50x16384x32xf32, #tpu.memory_space<hbm>> -> memref<1x128x32xf32, #tpu.memory_space<hbm>>
    %dma_wait3A_151 = tpu.memref_squeeze %dma_wait3A_150 : memref<1x128x32xf32, #tpu.memory_space<hbm>> -> memref<128x32xf32, #tpu.memory_space<hbm>>
    %dma_wait3A_152 = arith.constant 0 : i32
    %dma_wait3A_153 = arith.constant 0 : i32
    %dma_wait3A_154 = tpu.memref_slice %arg7[%dma_wait3A_140, %dma_wait3A_152, %dma_wait3A_153] : memref<8x128x32xf32, #tpu.memory_space<vmem>> -> memref<1x128x32xf32, #tpu.memory_space<vmem>>
    %dma_wait3A_155 = tpu.memref_squeeze %dma_wait3A_154 : memref<1x128x32xf32, #tpu.memory_space<vmem>> -> memref<128x32xf32, #tpu.memory_space<vmem>>
    tpu.wait_dma2 semaphore(%arg19 : memref<!tpu.dma_semaphore, #tpu.memory_space<semaphore_mem>>) src(%dma_wait3A_155 : memref<128x32xf32, #tpu.memory_space<vmem>>) dst(%dma_wait3A_151 : memref<128x32xf32, #tpu.memory_space<hbm>>)
    %dma_wait3A_156 = arith.constant 4 : i32
    %dma_wait3A_157 = arith.constant 0 : i32
    %dma_wait3A_158 = arith.constant 0 : i32
    %dma_wait3A_159 = arith.constant 0 : i32
    %dma_wait3A_160 = tpu.memref_slice %arg7[%dma_wait3A_156, %dma_wait3A_158, %dma_wait3A_159] : memref<8x128x32xf32, #tpu.memory_space<vmem>> -> memref<1x128x32xf32, #tpu.memory_space<vmem>>
    %dma_wait3A_161 = tpu.memref_squeeze %dma_wait3A_160 : memref<1x128x32xf32, #tpu.memory_space<vmem>> -> memref<128x32xf32, #tpu.memory_space<vmem>>
    %dma_wait3A_162 = arith.constant 0 : i32
    %dma_wait3A_163 = tpu.memref_slice %arg4[%dma_wait3A_157, %mul3A_2, %dma_wait3A_162] : memref<50x16384x32xf32, #tpu.memory_space<hbm>> -> memref<1x128x32xf32, #tpu.memory_space<hbm>>
    %dma_wait3A_164 = tpu.memref_squeeze %dma_wait3A_163 : memref<1x128x32xf32, #tpu.memory_space<hbm>> -> memref<128x32xf32, #tpu.memory_space<hbm>>
    %dma_wait3A_165 = arith.constant 0 : i32
    %dma_wait3A_166 = tpu.memref_slice %arg4[%dma_wait3A_157, %mul3A_2, %dma_wait3A_165] : memref<50x16384x32xf32, #tpu.memory_space<hbm>> -> memref<1x128x32xf32, #tpu.memory_space<hbm>>
    %dma_wait3A_167 = tpu.memref_squeeze %dma_wait3A_166 : memref<1x128x32xf32, #tpu.memory_space<hbm>> -> memref<128x32xf32, #tpu.memory_space<hbm>>
    %dma_wait3A_168 = arith.constant 0 : i32
    %dma_wait3A_169 = arith.constant 0 : i32
    %dma_wait3A_170 = tpu.memref_slice %arg7[%dma_wait3A_156, %dma_wait3A_168, %dma_wait3A_169] : memref<8x128x32xf32, #tpu.memory_space<vmem>> -> memref<1x128x32xf32, #tpu.memory_space<vmem>>
    %dma_wait3A_171 = tpu.memref_squeeze %dma_wait3A_170 : memref<1x128x32xf32, #tpu.memory_space<vmem>> -> memref<128x32xf32, #tpu.memory_space<vmem>>
    tpu.wait_dma2 semaphore(%arg20 : memref<!tpu.dma_semaphore, #tpu.memory_space<semaphore_mem>>) src(%dma_wait3A_171 : memref<128x32xf32, #tpu.memory_space<vmem>>) dst(%dma_wait3A_167 : memref<128x32xf32, #tpu.memory_space<hbm>>)
    %dma_wait3A_172 = arith.constant 5 : i32
    %dma_wait3A_173 = arith.constant 0 : i32
    %dma_wait3A_174 = arith.constant 0 : i32
    %dma_wait3A_175 = arith.constant 0 : i32
    %dma_wait3A_176 = tpu.memref_slice %arg7[%dma_wait3A_172, %dma_wait3A_174, %dma_wait3A_175] : memref<8x128x32xf32, #tpu.memory_space<vmem>> -> memref<1x128x32xf32, #tpu.memory_space<vmem>>
    %dma_wait3A_177 = tpu.memref_squeeze %dma_wait3A_176 : memref<1x128x32xf32, #tpu.memory_space<vmem>> -> memref<128x32xf32, #tpu.memory_space<vmem>>
    %dma_wait3A_178 = arith.constant 0 : i32
    %dma_wait3A_179 = tpu.memref_slice %arg4[%dma_wait3A_173, %mul3A_2, %dma_wait3A_178] : memref<50x16384x32xf32, #tpu.memory_space<hbm>> -> memref<1x128x32xf32, #tpu.memory_space<hbm>>
    %dma_wait3A_180 = tpu.memref_squeeze %dma_wait3A_179 : memref<1x128x32xf32, #tpu.memory_space<hbm>> -> memref<128x32xf32, #tpu.memory_space<hbm>>
    %dma_wait3A_181 = arith.constant 0 : i32
    %dma_wait3A_182 = tpu.memref_slice %arg4[%dma_wait3A_173, %mul3A_2, %dma_wait3A_181] : memref<50x16384x32xf32, #tpu.memory_space<hbm>> -> memref<1x128x32xf32, #tpu.memory_space<hbm>>
    %dma_wait3A_183 = tpu.memref_squeeze %dma_wait3A_182 : memref<1x128x32xf32, #tpu.memory_space<hbm>> -> memref<128x32xf32, #tpu.memory_space<hbm>>
    %dma_wait3A_184 = arith.constant 0 : i32
    %dma_wait3A_185 = arith.constant 0 : i32
    %dma_wait3A_186 = tpu.memref_slice %arg7[%dma_wait3A_172, %dma_wait3A_184, %dma_wait3A_185] : memref<8x128x32xf32, #tpu.memory_space<vmem>> -> memref<1x128x32xf32, #tpu.memory_space<vmem>>
    %dma_wait3A_187 = tpu.memref_squeeze %dma_wait3A_186 : memref<1x128x32xf32, #tpu.memory_space<vmem>> -> memref<128x32xf32, #tpu.memory_space<vmem>>
    tpu.wait_dma2 semaphore(%arg21 : memref<!tpu.dma_semaphore, #tpu.memory_space<semaphore_mem>>) src(%dma_wait3A_187 : memref<128x32xf32, #tpu.memory_space<vmem>>) dst(%dma_wait3A_183 : memref<128x32xf32, #tpu.memory_space<hbm>>)
    %dma_wait3A_188 = arith.constant 6 : i32
    %dma_wait3A_189 = arith.constant 0 : i32
    %dma_wait3A_190 = arith.constant 0 : i32
    %dma_wait3A_191 = arith.constant 0 : i32
    %dma_wait3A_192 = tpu.memref_slice %arg7[%dma_wait3A_188, %dma_wait3A_190, %dma_wait3A_191] : memref<8x128x32xf32, #tpu.memory_space<vmem>> -> memref<1x128x32xf32, #tpu.memory_space<vmem>>
    %dma_wait3A_193 = tpu.memref_squeeze %dma_wait3A_192 : memref<1x128x32xf32, #tpu.memory_space<vmem>> -> memref<128x32xf32, #tpu.memory_space<vmem>>
    %dma_wait3A_194 = arith.constant 0 : i32
    %dma_wait3A_195 = tpu.memref_slice %arg4[%dma_wait3A_189, %mul3A_2, %dma_wait3A_194] : memref<50x16384x32xf32, #tpu.memory_space<hbm>> -> memref<1x128x32xf32, #tpu.memory_space<hbm>>
    %dma_wait3A_196 = tpu.memref_squeeze %dma_wait3A_195 : memref<1x128x32xf32, #tpu.memory_space<hbm>> -> memref<128x32xf32, #tpu.memory_space<hbm>>
    %dma_wait3A_197 = arith.constant 0 : i32
    %dma_wait3A_198 = tpu.memref_slice %arg4[%dma_wait3A_189, %mul3A_2, %dma_wait3A_197] : memref<50x16384x32xf32, #tpu.memory_space<hbm>> -> memref<1x128x32xf32, #tpu.memory_space<hbm>>
    %dma_wait3A_199 = tpu.memref_squeeze %dma_wait3A_198 : memref<1x128x32xf32, #tpu.memory_space<hbm>> -> memref<128x32xf32, #tpu.memory_space<hbm>>
    %dma_wait3A_200 = arith.constant 0 : i32
    %dma_wait3A_201 = arith.constant 0 : i32
    %dma_wait3A_202 = tpu.memref_slice %arg7[%dma_wait3A_188, %dma_wait3A_200, %dma_wait3A_201] : memref<8x128x32xf32, #tpu.memory_space<vmem>> -> memref<1x128x32xf32, #tpu.memory_space<vmem>>
    %dma_wait3A_203 = tpu.memref_squeeze %dma_wait3A_202 : memref<1x128x32xf32, #tpu.memory_space<vmem>> -> memref<128x32xf32, #tpu.memory_space<vmem>>
    tpu.wait_dma2 semaphore(%arg22 : memref<!tpu.dma_semaphore, #tpu.memory_space<semaphore_mem>>) src(%dma_wait3A_203 : memref<128x32xf32, #tpu.memory_space<vmem>>) dst(%dma_wait3A_199 : memref<128x32xf32, #tpu.memory_space<hbm>>)
    %dma_wait3A_204 = arith.constant 7 : i32
    %dma_wait3A_205 = arith.constant 0 : i32
    %dma_wait3A_206 = arith.constant 0 : i32
    %dma_wait3A_207 = arith.constant 0 : i32
    %dma_wait3A_208 = tpu.memref_slice %arg7[%dma_wait3A_204, %dma_wait3A_206, %dma_wait3A_207] : memref<8x128x32xf32, #tpu.memory_space<vmem>> -> memref<1x128x32xf32, #tpu.memory_space<vmem>>
    %dma_wait3A_209 = tpu.memref_squeeze %dma_wait3A_208 : memref<1x128x32xf32, #tpu.memory_space<vmem>> -> memref<128x32xf32, #tpu.memory_space<vmem>>
    %dma_wait3A_210 = arith.constant 0 : i32
    %dma_wait3A_211 = tpu.memref_slice %arg4[%dma_wait3A_205, %mul3A_2, %dma_wait3A_210] : memref<50x16384x32xf32, #tpu.memory_space<hbm>> -> memref<1x128x32xf32, #tpu.memory_space<hbm>>
    %dma_wait3A_212 = tpu.memref_squeeze %dma_wait3A_211 : memref<1x128x32xf32, #tpu.memory_space<hbm>> -> memref<128x32xf32, #tpu.memory_space<hbm>>
    %dma_wait3A_213 = arith.constant 0 : i32
    %dma_wait3A_214 = tpu.memref_slice %arg4[%dma_wait3A_205, %mul3A_2, %dma_wait3A_213] : memref<50x16384x32xf32, #tpu.memory_space<hbm>> -> memref<1x128x32xf32, #tpu.memory_space<hbm>>
    %dma_wait3A_215 = tpu.memref_squeeze %dma_wait3A_214 : memref<1x128x32xf32, #tpu.memory_space<hbm>> -> memref<128x32xf32, #tpu.memory_space<hbm>>
    %dma_wait3A_216 = arith.constant 0 : i32
    %dma_wait3A_217 = arith.constant 0 : i32
    %dma_wait3A_218 = tpu.memref_slice %arg7[%dma_wait3A_204, %dma_wait3A_216, %dma_wait3A_217] : memref<8x128x32xf32, #tpu.memory_space<vmem>> -> memref<1x128x32xf32, #tpu.memory_space<vmem>>
    %dma_wait3A_219 = tpu.memref_squeeze %dma_wait3A_218 : memref<1x128x32xf32, #tpu.memory_space<vmem>> -> memref<128x32xf32, #tpu.memory_space<vmem>>
    tpu.wait_dma2 semaphore(%arg23 : memref<!tpu.dma_semaphore, #tpu.memory_space<semaphore_mem>>) src(%dma_wait3A_219 : memref<128x32xf32, #tpu.memory_space<vmem>>) dst(%dma_wait3A_215 : memref<128x32xf32, #tpu.memory_space<hbm>>)
    return
  }
}

</mosaic_0001>

<sc_bundles>
// kernel: _sc_gather_t.3.cloned.1.call-start
scs
__scs_entry_jumppad:
0x0: {  	(pc) =	sbr.rel $0x88, $3  }
0x1: {  	(tag) =	ssettag $0x0;
	lr =	simm.s32 $0x1  }
0x2: {  	[smem:$0x3F9F] =	sst lr;
	_ =	strace $0xD0000000  }
0x3: {  	_ = 	snop  }
0x4: {  	_ = 	snop  }
0x5: {  	_ = 	snop  }
0x6: {  	_ = 	snop  }
0x7: {  	_ = 	snop  }
__scs_overlays_trampoline_lowered:
0x8: {  	[smem:$0x3FAE] =	sst s0  }
0x9: {  	[smem:$0x3FAF] =	sst s1  }
0xa: {  	[smem:$0x3FB0] =	sst s2  }
0xb: {  	[smem:$0x3FB1] =	sst s3  }
0xc: {  	[smem:$0x3FB2] =	sst s4  }
0xd: {  	[smem:$0x3FB3] =	sst s5  }
0xe: {  	[smem:$0x3FB4] =	sst s6  }
0xf: {  	[smem:$0x3FB5] =	sst s7  }
0x10: {  	[smem:$0x3FB6] =	sst s8  }
0x11: {  	[smem:$0x3FB7] =	sst s9;
	s0 =	simm.s32 @!p0 $0x0  }
0x12: {  	s1 =	sld [smem:$0x3F9D];
	s0 =	simm.s32 @p0 $0x1  }
0x13: {  	[smem:$0x3FB8] =	sst s0;
	s0 =	simm.s32 @!p1 $0x0  }
0x14: {  	s2 =	sld [smem:$0x3F9C];
	s0 =	simm.s32 @p1 $0x1  }
0x15: {  	[smem:$0x3FB9] =	sst s0;
	s0 =	simm.s32 @!p2 $0x0  }
0x16: {  	s3 =	sld [smem:$0x3FDB];
	s0 =	simm.s32 @p2 $0x1  }
0x17: {  	s4 =	simm.s32 $0x1BF5;
	[smem:$0x3FBB] =	sst s0  }
0x18: {  	s0 =	sld [smem:$0x3F9E];
	_ =	swait.ge [sflag:s4], $0x0  }
0x19: {  	s7 =	sld [smem:$0x3F9F]  }
0x1a: {  	s8 =	sadd.s32 $0xFFFFE003, lr  }
0x1b: {  	s9 =	sadd.s32 $0xFFFFFEF7, lr;
	s5 =	simm.s32 $0xFFFFFFFF;
	p2 =	slt.u32 s8, $0xFFFFF086  }
0x1c: {  	p1 =	slt.u32 s9, $0xF7A;
	s5 =	simm.s32 @!p2 $0x0  }
0x1d: {  	s5 =	simm.s32 @p1 $0x1;
	p0 =	seq.s32 s7, s2  }
0x1e: {  	s7 =	smul.u32 @!p0 $0xF7A, s2;
	p2 =	seq.s32 @!p0 s5, $0x0  }
0x1f: {  	s9 =	smul.u32 $0xF7A, s1;
	s8 =	simm.s32 @!p0 $0x1BF5;
	p2 =	por !p2, p0  }
0x20: {  	[sflag:s8] =	ssyncset.s32 @!p0 $0xFFFFF086;
	s6 =	sadd.s32 @!p0 s3, s7;
	s7 =	simm.s32 @!p0 $0x108  }
0x21: {  	s3 =	sadd.s32 s3, s9;
	s6 =	sadd.s32 @!p0 $0x88, s6;
	s7 =	simm.s32 @p2 $0x1082  }
0x22: {  	[simem:s7], [sflag:s8] =	dma.local @!p0 [hbm:s6], $0xF7A  }
0x23: {  	s9 =	sor.u32 $0xD0000000, s2;
	s6 =	simm.s32 $0x108;
	_ =	swait.ge @!p0 [sflag:s8], $0x0  }
0x24: {  	s3 =	sadd.s32 $0x88, s3;
	s6 =	simm.s32 @!p1 $0x1082;
	[sflag:s4] =	ssyncset.s32 $0xFFFFF086  }
0x25: {  	[simem:s6], [sflag:s4] =	dma.local [hbm:s3], $0xF7A  }
0x26: {  	[smem:$0x3F9F] =	sst s1;
	(tag) =	ssettag s2;
	_ =	strace s9  }
0x27: {  	s1 =	sld [smem:$0x3FAF]  }
0x28: {  	s2 =	sld [smem:$0x3FB0]  }
0x29: {  	s4 =	sld [smem:$0x3FB2]  }
0x2a: {  	p0 =	seq.s32 s5, $0x0;
	s5 =	sld [smem:$0x3FB3]  }
0x2b: {  	s6 =	sld [smem:$0x3FB4]  }
0x2c: {  	s7 =	sld [smem:$0x3FB5]  }
0x2d: {  	s3 =	simm.s32 $0x108;
	s8 =	sld [smem:$0x3FB6]  }
0x2e: {  	s3 =	simm.s32 @!p0 $0x1082;
	s9 =	sld [smem:$0x3FB7]  }
0x2f: {  	lr =	sadd.s32 s0, s3;
	s0 =	sld [smem:$0x3FAE]  }
0x30: {  	s3 =	sld [smem:$0x3FB1]  }
0x31: {  	[smem:$0x3FBA] =	sst s10  }
0x32: {  	s10 =	sld [smem:$0x3FB8];
	_ =	sdelay $0x3  }
0x33: {  	p0 =	seq.s32 s10, $0x1;
	s10 =	sld [smem:$0x3FBA];
	_ =	sdelay $0x3  }
0x34: {  	[smem:$0x3FBA] =	sst s10  }
0x35: {  	s10 =	sld [smem:$0x3FB9];
	_ =	sdelay $0x3  }
0x36: {  	p1 =	seq.s32 s10, $0x1;
	s10 =	sld [smem:$0x3FBA];
	_ =	sdelay $0x3  }
0x37: {  	[smem:$0x3FBA] =	sst s10  }
0x38: {  	s10 =	sld [smem:$0x3FBB]  }
0x39: {  	_ = 	snop;
	(pc) =	sbr.ind lr, $3  }
0x3a: {  	_ = 	snop  }
0x3b: {  	_ = 	snop  }
0x3c: {  	p2 =	seq.s32 s10, $0x1;
	s10 =	sld [smem:$0x3FBA]  }
0x3d: {  	_ =	shalt  }
0x3e: {  	_ =	shalt  }
0x3f: {  	_ =	shalt  }
0x40: {  	_ =	shalt  }
0x41: {  	_ =	shalt  }
0x42: {  	_ =	shalt  }
0x43: {  	_ =	shalt  }
0x44: {  	_ =	shalt  }
0x45: {  	_ =	shalt  }
0x46: {  	_ =	shalt  }
0x47: {  	_ =	shalt  }
0x48: {  	_ =	shalt  }
0x49: {  	_ =	shalt  }
0x4a: {  	_ =	shalt  }
0x4b: {  	_ =	shalt  }
0x4c: {  	_ =	shalt  }
0x4d: {  	_ =	shalt  }
0x4e: {  	_ =	shalt  }
0x4f: {  	_ =	shalt  }
0x50: {  	_ =	shalt  }
0x51: {  	_ =	shalt  }
0x52: {  	_ =	shalt  }
0x53: {  	_ =	shalt  }
0x54: {  	_ =	shalt  }
0x55: {  	_ =	shalt  }
0x56: {  	_ =	shalt  }
0x57: {  	_ =	shalt  }
0x58: {  	_ =	shalt  }
0x59: {  	_ =	shalt  }
0x5a: {  	_ =	shalt  }
0x5b: {  	_ =	shalt  }
0x5c: {  	_ =	shalt  }
0x5d: {  	_ =	shalt  }
0x5e: {  	_ =	shalt  }
0x5f: {  	_ =	shalt  }
0x60: {  	_ =	shalt  }
0x61: {  	_ =	shalt  }
0x62: {  	_ =	shalt  }
0x63: {  	_ =	shalt  }
0x64: {  	_ =	shalt  }
0x65: {  	_ =	shalt  }
0x66: {  	_ =	shalt  }
0x67: {  	_ =	shalt  }
0x68: {  	_ =	shalt  }
0x69: {  	_ =	shalt  }
0x6a: {  	_ =	shalt  }
0x6b: {  	_ =	shalt  }
0x6c: {  	_ =	shalt  }
0x6d: {  	_ =	shalt  }
0x6e: {  	_ =	shalt  }
0x6f: {  	_ =	shalt  }
0x70: {  	_ =	shalt  }
0x71: {  	_ =	shalt  }
0x72: {  	_ =	shalt  }
0x73: {  	_ =	shalt  }
0x74: {  	_ =	shalt  }
0x75: {  	_ =	shalt  }
0x76: {  	_ =	shalt  }
0x77: {  	_ =	shalt  }
0x78: {  	_ =	shalt  }
0x79: {  	_ =	shalt  }
0x7a: {  	_ =	shalt  }
0x7b: {  	_ =	shalt  }
0x7c: {  	_ =	shalt  }
0x7d: {  	_ =	shalt  }
0x7e: {  	_ =	shalt  }
0x7f: {  	_ =	shalt  }
0x80: {  	_ =	shalt  }
0x81: {  	_ =	shalt  }
0x82: {  	_ =	shalt  }
0x83: {  	_ =	shalt  }
0x84: {  	_ =	shalt  }
0x85: {  	_ =	shalt  }
0x86: {  	_ =	shalt  }
0x87: {  	_ =	shalt  }
.Lfunc_end0:
.L_simem_size_0:
called_computation.1_lowered:
.L_overlay_start_0:
0x88: {  	s2 =	sld [smem:$0x3FD9]  }
0x89: {  	s3 =	sld [smem:$0x3FFE];
	_ =	sdelay $0x1  }
0x8a: {  	s1 =	srdreg.scid  }
0x8b: {  	s0 =	sand.u32 $0x1, s1  }
0x8c: {  	s17 =	sshll.u32 s0, $0xA;
	s2 =	sadd.s32 s3, s2  }
0x8d: {  	s2 =	sadd.s32 s2, s17  }
0x8e: {  	[smem:$0x3FC6] =	sst s2  }
0x8f: {  	_ = 	snop  }
0x90: {  	s2 =	sld [smem:$0x3FD0];
	(tm) =	ssettm $0x1  }
0x91: {  	s18 =	sld [smem:$0x3FFB];
	_ =	sdelay $0x3  }
0x92: {  	_ =	strace s18  }
0x93: {  	s3 =	sld [smem:$0x3FFC];
	_ =	sdelay $0x3  }
0x94: {  	_ =	strace s3  }
0x95: {  	s3 =	sld [smem:$0x3FFD];
	_ =	sdelay $0x3  }
0x96: {  	_ =	strace s3  }
0x97: {  	_ =	strace $0x8FFFFFFF  }
0x98: {  	s19 =	sld [smem:$0x3FDB];
	_ =	sdelay $0x1  }
0x99: {  	s4 =	simm.s32 $_scs_section_size  }
0x9a: {  	s5 =	simm.s32 $_size__tile_overlayer_lowered;
	s6 =	simm.s32 $_tile_overlayer_lowered  }
0x9b: {  	s22 =	simm.s32 $0x1BFF;
	s21 =	sshll.u32 s6, $0x1;
	s3 =	sadd.s32 s4, s19  }
0x9c: {  	s7 =	simm.s32 $0x0;
	s20 =	sshll.u32 s5, $0x1;
	s5 =	sadd.s32 s21, s3  }
0x9d: {  	[timem:s7], [sflag:s22] =	dma.local [hbm:s5], s20  }
0x9e: {  	_ =	swait.ge [sflag:s22], s20  }
0x9f: {  	s4 =	ssub.s32 $0x0, s20;
	[sflag:s22] =	ssyncset.done $0x0  }
0xa0: {  	[sflag:s22] =	ssyncadd.s32 s4;
	_ =	sdelay $0x1  }
0xa1: {  	s23 =	simm.s32 $0x1B8B  }
0xa2: {  	_ =	swait.ge [sflag:s23], $0x1  }
0xa3: {  	[sflag:s23] =	ssyncset.done $0x0  }
0xa4: {  	s25 =	simm.s32 $0x1B8E;
	s24 =	sld [smem:$0x3FFE];
	[sflag:s23] =	ssyncadd.s32 $0xFFFFFFFF  }
0xa5: {  	s26 =	simm.s32 $execute0_lowered;
	[smem:$0x3FD2] =	sst s25  }
0xa6: {  	s5 =	sshll.u32 s26, $0x1;
	_ =	strace $0x80000046;
	[dreg:$0x1] =	wrdreg $0xFFFFFFFF  }
0xa7: {  	s28 =	simm.s32 $_size_execute0_lowered;
	s3 =	sadd.s32 s3, s5;
	[dreg:$0x0] =	wrdreg $0x0  }
0xa8: {  	s5 =	sshll.u32 s28, $0x1;
	[dreg:$0x2] =	wrdreg s3  }
0xa9: {  	[dreg:$0x3] =	wrdreg s5  }
0xaa: {  	[dreg:$0x4] =	wrdreg $0xC0  }
0xab: {  	_ =	task [dreg:s7], $0x5FFFF  }
0xac: {  	[dreg:$0x1] =	wrdreg $0xFFFFFFFF  }
0xad: {  	[dreg:$0x0] =	wrdreg $0x60  }
0xae: {  	[dreg:$0x2] =	wrdreg s24  }
0xaf: {  	[dreg:$0x3] =	wrdreg s2  }
0xb0: {  	[dreg:$0x4] =	wrdreg $0x9  }
0xb1: {  	_ =	task.clear_ibuf [dreg:s7], $0x5FFFF;
	_ =	strace $0x90000046  }
0xb2: {  	s29 =	simm.s32 $0x9;
	_ =	strace $0x80000048  }
0xb3: {  	_ =	swait.ge [sflag:s29], $0x1  }
0xb4: {  	[sflag:s29] =	ssyncadd.s32 $0xFFFFFFFF  }
0xb5: {  	_ =	strace $0x90000048  }
0xb6: {  	_ =	sfence  }
0xb7: {  	s30 =	sld [smem:$0x0];
	_ =	sdelay $0x2  }
0xb8: {  	s31 =	sshll.u32 s1, $0xD;
	s1 =	sshrl.u32 s1, $0x2  }
0xb9: {  	s3 =	sand.u32 $0x4000, s31;
	s1 =	sadd.s32 s1, s30  }
0xba: {  	s0 =	sor.u32 s3, s0;
	s1 =	sshll.u32 s1, $0x11  }
0xbb: {  	s0 =	sor.u32 s1, s0  }
0xbc: {  	s0 =	sadd.s32 $0x8F2B, s0  }
0xbd: {  	[sflag:s0] =	ssyncadd.remote.s32 $0x1  }
0xbe: {  	_ =	sfence.sel $0xFFFF  }
0xbf: {  	[dreg:$0x0] =	wrdreg $0xFFFFFFFF;
	(pc) =	sbr.abs _section_cstart, $3  }
0xc0: {  	[dreg:$0x1] =	wrdreg $0xFFFFFFFF  }
0xc1: {  	_ =	task.clear_ibuf [dreg:s7], $0x2FFFF;
	_ =	strace $0x9FFFFFFF  }
0xc2: {  	(tm) =	ssettm $0x7FFFFFFF  }
0xc3: {  	_ =	shalt  }
tec
execute0_lowered:
.L_overlay_start_1:
0x0: {  	(tag) =	ssettag $0x1  }
0x1: {  	s0 =	srdreg.scid  }
0x2: {  	s1 =	rddreg [dreg:$0x0];
	s7 =	stileid.u32  }
0x3: {  	s8 =	rddreg [dreg:$0x1];
	s3 =	simm.s32 $0x0;
	s28 =	simm.s32 $0x1  }
0x4: {  	s29 =	simm.s32 $0x3;
	s30 =	simm.s32 $0x5;
	s0 =	sand.u32 $0x1, s0  }
0x5: {  	s2 =	sshll.u32 s7, $0xA;
	[smem:$0x7FF] =	sst s3;
	s21 =	sshll.u32 s7, $0xF  }
0x6: {  	s4 =	sshll.u32 s0, $0x9;
	_ =	strace $0x80000047;
	s6 =	ssub.s32 $0x2, s0  }
0x7: {  	s0 =	sshll.u32 s0, $0xE;
	s2 =	sor.u32 s4, s2;
	s18 =	sshrl.u32 s6, $0x1  }
0x8: {  	s0 =	sor.u32 s0, s21;
	s21 =	simm.s32 $0x80;
	s4 =	smul.u32 $0x7, s2  }
0x9: {  	s2 =	sshll.u32 s2, $0x2;
	s11 =	sshrl.u32 s0, $0x3;
	s22 =	sor.u32 $0x1000, s0  }
0xa: {  	s23 =	sor.u32 $0x2000, s0;
	s24 =	sor.u32 $0x3000, s0;
	s25 =	sor.u32 $0x83000, s0  }
0xb: {  	s26 =	sor.u32 $0x82000, s0;
	s31 =	sor.u32 $0x81000, s0;
	s0 =	sor.u32 $0x80000, s0  }
0xc: {  	s2 =	sadd.s32 s2, s8;
	s12 =	sshrl.u32 s22, $0x3;
	s13 =	sshrl.u32 s23, $0x3  }
0xd: {  	s14 =	sshrl.u32 s24, $0x3;
	s15 =	sshrl.u32 s25, $0x3;
	s16 =	sshrl.u32 s26, $0x3  }
0xe: {  	s17 =	sshrl.u32 s31, $0x3;
	s23 =	simm.s32 $0x13400;
	s25 =	simm.s32 $0x14400  }
0xf: {  	s5 =	sadd.s32 s4, s1;
	s4 =	sadd.s32 $0xF42E00, s1;
	s19 =	sadd.s32 $0x310200, s2  }
0x10: {  	s24 =	simm.s32 $0x10;
	s20 =	sadd.s32 $0x310600, s2;
	s9 =	sadd.s32 $0x300200, s2  }
.Ltmp0:
0x11: {  	s1 =	ssub.s32 s6, s18;
	s10 =	sadd.s32 $0x300600, s2;
	(pc) =	sbr.rel .LBB2_1-.Ltmp0, $4  }
0x12: {  	v0 =	vlaneseq.u32;
	s18 =	sshrl.u32 s0, $0x3;
	s0 =	simm.s32 $0x8;
	[dreg:$0x4] =	wrdreg s19  }
0x13: {  	v0 =	vmul.u32 $0x200, v0;
	s2 =	simm.s32 $0xF;
	s5 =	sadd.s32 $0xA00, s5;
	[dreg:$0x5] =	wrdreg s20  }
0x14: {  	s6 =	simm.s32 $0x0;
	s1 =	smax.u32 s1, $0x1;
	[dreg:$0x3] =	wrdreg s5  }
0x15: {  	v1 =	vor.u32 $0x2000, v0;
	v2 =	vor.u32 $0x4000, v0;
	v3 =	vadd.s32 $0x4400, v0;
	s20 =	simm.s32 $0x7000;
	[dreg:$0x6] =	wrdreg s1;
	s1 =	simm.s32 $0x7  }
.LBB2_6:
0x16: {  	_ =	swait.ge [sflag:s0], $0x1000  }
0x17: {  	[sflag:s0] =	ssyncset.done $0x0  }
0x18: {  	s6 =	simm.s32 $0x9;
	s5 =	rddreg [dreg:$0x5];
	[sflag:s0] =	ssyncadd.s32 $0xFFFFF000  }
0x19: {  	[hbm4b:s5+s3] =	stream.linear.scatter [tilespmem:s25], [sflag:$0x10], $0x1000, $0x38;
	[tilespmem:$0x15400] =	vst v63  }
0x1a: {  	_ =	swait.ge [sflag:s6], $0x1000  }
0x1b: {  	[sflag:s6] =	ssyncset.done $0x0  }
0x1c: {  	s7 =	simm.s32 $0xA;
	[sflag:s6] =	ssyncadd.s32 $0xFFFFF000  }
0x1d: {  	_ =	swait.ge [sflag:s7], $0x1000  }
0x1e: {  	[sflag:s7] =	ssyncset.done $0x0  }
0x1f: {  	s8 =	simm.s32 $0xB;
	[sflag:s7] =	ssyncadd.s32 $0xFFFFF000  }
0x20: {  	_ =	swait.ge [sflag:s8], $0x1000  }
0x21: {  	[sflag:s8] =	ssyncset.done $0x0  }
0x22: {  	s19 =	simm.s32 $0xC;
	[sflag:s8] =	ssyncadd.s32 $0xFFFFF000  }
0x23: {  	_ =	swait.ge [sflag:s19], $0x1000  }
0x24: {  	[sflag:s19] =	ssyncset.done $0x0  }
0x25: {  	s22 =	simm.s32 $0xD;
	[sflag:s19] =	ssyncadd.s32 $0xFFFFF000  }
0x26: {  	_ =	swait.ge [sflag:s22], $0x1000  }
0x27: {  	[sflag:s22] =	ssyncset.done $0x0  }
0x28: {  	s26 =	simm.s32 $0xE;
	[sflag:s22] =	ssyncadd.s32 $0xFFFFF000  }
0x29: {  	_ =	swait.ge [sflag:s26], $0x1000  }
0x2a: {  	[sflag:s26] =	ssyncset.done $0x0  }
0x2b: {  	[sflag:s26] =	ssyncadd.s32 $0xFFFFF000  }
0x2c: {  	_ =	swait.ge [sflag:s2], $0x1000  }
0x2d: {  	[sflag:s2] =	ssyncset.done $0x0  }
0x2e: {  	[sflag:s2] =	ssyncadd.s32 $0xFFFFF000  }
0x2f: {  	_ =	swait.ge [sflag:s24], $0x1000  }
0x30: {  	s6 =	rddreg [dreg:$0x7]  }
0x31: {  	s31 =	rddreg [dreg:$0x6];
	s6 =	sadd.s32 $0x1, s6  }
0x32: {  	p0 =	sne.s32 s6, s31  }
.Ltmp1:
0x33: {  	_ = 	snop;
	(pc) =	sbr.rel @!p0 .LBB2_7-.Ltmp1, $3  }
0x34: {  	_ =	sdelay $0x1  }
0x35: {  	[sflag:s24] =	ssyncset.done $0x0  }
0x36: {  	[sflag:s24] =	ssyncadd.s32 $0xFFFFF000  }
.LBB2_1:
0x37: {  	[dreg:$0x7] =	wrdreg s6  }
0x38: {  	s5 =	rddreg [dreg:$0x3];
	s31 =	simm.s32 $0x11  }
0x39: {  	[tilespmem:s3], [sflag:$0x11] =	stream.linear.gather [hbm4b:s5+s3], $0x7000, $0x38;
	[tilespmem:$0x15400] =	vst v63  }
0x3a: {  	_ =	swait.ge [sflag:s31], $0x7000  }
0x3b: {  	[sflag:s31] =	ssyncset.done $0x0  }
0x3c: {  	s5 =	simm.s32 $0x20;
	[sflag:s31] =	ssyncadd.s32 $0xFFFF9000  }
0x3d: {  	v5 =	vor.u32 s3, v0;
	s8 =	simm.s32 $0x1;
	s7 =	simm.s32 $0x0;
	v4 =	vld [tilespmem:s5+$0xFFFFFFE0]  }
.LBB2_2:
0x3e: {  	p0 =	sne.s32 s8, $0x1FF;
	_ =	sdelay $0x3  }
0x3f: {  	[tilespmem:v5+s20+$0x0] =	vst.idx.msk $0xffff, v4  }
0x40: {  	v5 =	vor.u32 s7, v1;
	v4 =	vld [tilespmem:s5+$0xFFFFFFF0];
	_ =	sdelay $0x4  }
0x41: {  	[tilespmem:v5+s20+$0x0] =	vst.idx.msk $0xffff, v4  }
0x42: {  	v5 =	vor.u32 s7, v2;
	v4 =	vld [tilespmem:s5+$0x0];
	_ =	sdelay $0x4  }
0x43: {  	[tilespmem:v5+s20+$0x0] =	vst.idx.msk $0xffff, v4  }
0x44: {  	v5 =	vor.u32 s7, v3;
	s7 =	smov.u32 s8;
	v4 =	vld [tilespmem:s5+$0x2];
	_ =	sdelay $0x1  }
.Ltmp2:
0x45: {  	(pc) =	sbr.rel @p0 .LBB2_2-.Ltmp2, $3  }
0x46: {  	_ =	sdelay $0x1  }
0x47: {  	s5 =	sadd.s32 $0x38, s5;
	[tilespmem:v5+s20+$0x0] =	vst.idx.msk $0xffff, v4  }
0x48: {  	s8 =	sadd.s32 $0x1, s8;
	v5 =	vor.u32 s7, v0;
	v4 =	vld [tilespmem:s5+$0xFFFFFFE0]  }
0x49: {  	_ =	sdelay $0x3  }
0x4a: {  	[tilespmem:v5+s20+$0x0] =	vst.idx.msk $0xffff, v4  }
0x4b: {  	v5 =	vor.u32 s7, v1;
	v4 =	vld [tilespmem:s5+$0xFFFFFFF0];
	_ =	sdelay $0x4  }
0x4c: {  	[tilespmem:v5+s20+$0x0] =	vst.idx.msk $0xffff, v4  }
0x4d: {  	v5 =	vor.u32 s7, v2;
	v4 =	vld [tilespmem:s5+$0x0];
	_ =	sdelay $0x4  }
0x4e: {  	[tilespmem:v5+s20+$0x0] =	vst.idx.msk $0xffff, v4  }
0x4f: {  	v5 =	vor.u32 s7, v3;
	v4 =	vld [tilespmem:s5+$0x2];
	_ =	sdelay $0x4  }
0x50: {  	s7 =	simm.s32 $0xD400;
	[tilespmem:v5+s20+$0x0] =	vst.idx.msk $0xffff, v4  }
0x51: {  	[tilespmem:s7], [sflag:$0x1] =	stream.indirect.gather [hbm4b:s4+s21], $0x20, s20, s21, $0xb8;
	[tilespmem:$0x15400] =	vst v63  }
0x52: {  	s8 =	simm.s32 $0x7080;
	s6 =	simm.s32 $0xE400  }
0x53: {  	[tilespmem:s6], [sflag:$0x2] =	stream.indirect.gather [hbm4b:s4+s21], $0x20, s8, s21, $0xb8;
	[tilespmem:$0x15400] =	vst v63  }
0x54: {  	s19 =	simm.s32 $0x7100;
	s22 =	simm.s32 $0xF400  }
0x55: {  	[tilespmem:s22], [sflag:$0x3] =	stream.indirect.gather [hbm4b:s4+s21], $0x20, s19, s21, $0xb8;
	[tilespmem:$0x15400] =	vst v63  }
0x56: {  	s26 =	simm.s32 $0x7180;
	s31 =	simm.s32 $0x10400  }
0x57: {  	[tilespmem:s31], [sflag:$0x4] =	stream.indirect.gather [hbm4b:s4+s21], $0x20, s26, s21, $0xb8;
	[tilespmem:$0x15400] =	vst v63  }
0x58: {  	s7 =	simm.s32 $0x7200;
	s8 =	simm.s32 $0x11400  }
0x59: {  	[tilespmem:s8], [sflag:$0x5] =	stream.indirect.gather [hbm4b:s4+s21], $0x20, s7, s21, $0xb8;
	[tilespmem:$0x15400] =	vst v63  }
0x5a: {  	s19 =	simm.s32 $0x7280;
	s22 =	simm.s32 $0x12400  }
0x5b: {  	[tilespmem:s22], [sflag:$0x6] =	stream.indirect.gather [hbm4b:s4+s21], $0x20, s19, s21, $0xb8;
	[tilespmem:$0x15400] =	vst v63  }
0x5c: {  	s26 =	simm.s32 $0x7300  }
0x5d: {  	[tilespmem:s23], [sflag:$0x7] =	stream.indirect.gather [hbm4b:s4+s21], $0x20, s26, s21, $0xb8;
	[tilespmem:$0x15400] =	vst v63  }
0x5e: {  	s31 =	simm.s32 $0x7380;
	s7 =	simm.s32 $0x0;
	s8 =	rddreg [dreg:$0x1]  }
0x5f: {  	[tilespmem:s25], [sflag:$0x8] =	stream.indirect.gather [hbm4b:s4+s21], $0x20, s31, s21, $0xb8;
	[tilespmem:$0x15400] =	vst v63  }
.LBB2_4:
0x60: {  	_ =	swait.ge [sflag:s28], $0x1000  }
0x61: {  	s5 =	sadd.s32 s8, s11;
	[sflag:s28] =	ssyncset.done $0x0  }
0x62: {  	s6 =	simm.s32 $0xD400;
	p0 =	seq.s32 s7, $0x18000;
	[sflag:s28] =	ssyncadd.s32 $0xFFFFF000  }
0x63: {  	[hbm4b:s5+s3] =	stream.linear.scatter [tilespmem:s6], [sflag:$0x9], $0x1000, $0x38;
	[tilespmem:$0x15400] =	vst v63  }
0x64: {  	s5 =	simm.s32 @p0 $0x2  }
0x65: {  	_ =	swait.ge @p0 [sflag:s5], $0x1000  }
0x66: {  	[sflag:s5] =	ssyncset.done @p0 $0x0  }
0x67: {  	s22 =	simm.s32 @p0 $0x0;
	[sflag:s5] =	ssyncadd.s32 @p0 $0xFFFFF000;
	s5 =	simm.s32 @p0 $0xE400  }
0x68: {  	[hbm4b:s9+s22] =	stream.linear.scatter @p0 [tilespmem:s5], [sflag:$0xA], $0x1000, $0x38;
	[tilespmem:$0x15400] =	vst v63  }
0x69: {  	s5 =	simm.s32 @!p0 $0x9  }
0x6a: {  	_ =	swait.ge @!p0 [sflag:s5], $0x1000  }
0x6b: {  	s19 =	sshra.s32 @!p0 s7, $0x2;
	s31 =	simm.s32 @!p0 $0xD400;
	[sflag:s5] =	ssyncset.done @!p0 $0x0  }
0x6c: {  	s26 =	sadd.s32 @!p0 $0x7400, s19;
	[sflag:s5] =	ssyncadd.s32 @!p0 $0xFFFFF000;
	s5 =	simm.s32 @!p0 $0x80  }
0x6d: {  	[tilespmem:s31], [sflag:$0x1] =	stream.indirect.gather @!p0 [hbm4b:s4+s5], $0x20, s26, s5, $0xb8;
	[tilespmem:$0x15400] =	vst v63  }
0x6e: {  	s26 =	simm.s32 @!p0 $0x2  }
0x6f: {  	_ =	swait.ge @!p0 [sflag:s26], $0x1000  }
0x70: {  	s6 =	simm.s32 @!p0 $0xE400;
	[sflag:s26] =	ssyncset.done @!p0 $0x0  }
0x71: {  	s31 =	sadd.s32 @!p0 s8, s12;
	[sflag:s26] =	ssyncadd.s32 @!p0 $0xFFFFF000;
	s26 =	simm.s32 @!p0 $0x0  }
0x72: {  	[hbm4b:s31+s26] =	stream.linear.scatter @!p0 [tilespmem:s6], [sflag:$0xA], $0x1000, $0x38;
	[tilespmem:$0x15400] =	vst v63  }
0x73: {  	s31 =	simm.s32 @!p0 $0xA  }
0x74: {  	_ =	swait.ge @!p0 [sflag:s31], $0x1000  }
0x75: {  	[sflag:s31] =	ssyncset.done @!p0 $0x0  }
0x76: {  	[sflag:s31] =	ssyncadd.s32 @!p0 $0xFFFFF000;
	s31 =	sadd.s32 @!p0 $0x7480, s19  }
0x77: {  	[tilespmem:s6], [sflag:$0x2] =	stream.indirect.gather @!p0 [hbm4b:s4+s5], $0x20, s31, s5, $0xb8;
	[tilespmem:$0x15400] =	vst v63  }
0x78: {  	_ =	swait.ge [sflag:s29], $0x1000  }
0x79: {  	[sflag:s29] =	ssyncset.done $0x0  }
0x7a: {  	s6 =	sadd.s32 s8, s13;
	s31 =	simm.s32 $0xF400;
	[sflag:s29] =	ssyncadd.s32 $0xFFFFF000  }
0x7b: {  	[hbm4b:s6+s3] =	stream.linear.scatter [tilespmem:s31], [sflag:$0xB], $0x1000, $0x38;
	[tilespmem:$0x15400] =	vst v63  }
0x7c: {  	s6 =	simm.s32 @p0 $0x4  }
0x7d: {  	_ =	swait.ge @p0 [sflag:s6], $0x1000  }
0x7e: {  	[sflag:s6] =	ssyncset.done @p0 $0x0  }
0x7f: {  	[sflag:s6] =	ssyncadd.s32 @p0 $0xFFFFF000;
	s6 =	simm.s32 @p0 $0x10400  }
0x80: {  	[hbm4b:s10+s22] =	stream.linear.scatter @p0 [tilespmem:s6], [sflag:$0xC], $0x1000, $0x38;
	[tilespmem:$0x15400] =	vst v63  }
0x81: {  	s6 =	simm.s32 @!p0 $0xB  }
0x82: {  	_ =	swait.ge @!p0 [sflag:s6], $0x1000  }
0x83: {  	[sflag:s6] =	ssyncset.done @!p0 $0x0  }
0x84: {  	s31 =	simm.s32 @!p0 $0xF400;
	[sflag:s6] =	ssyncadd.s32 @!p0 $0xFFFFF000;
	s6 =	sadd.s32 @!p0 $0x7500, s19  }
0x85: {  	[tilespmem:s31], [sflag:$0x3] =	stream.indirect.gather @!p0 [hbm4b:s4+s5], $0x20, s6, s5, $0xb8;
	[tilespmem:$0x15400] =	vst v63  }
0x86: {  	s6 =	simm.s32 @!p0 $0x4  }
0x87: {  	_ =	swait.ge @!p0 [sflag:s6], $0x1000  }
0x88: {  	[sflag:s6] =	ssyncset.done @!p0 $0x0  }
0x89: {  	s31 =	simm.s32 @!p0 $0x10400;
	[sflag:s6] =	ssyncadd.s32 @!p0 $0xFFFFF000;
	s6 =	sadd.s32 @!p0 s8, s14  }
0x8a: {  	[hbm4b:s6+s26] =	stream.linear.scatter @!p0 [tilespmem:s31], [sflag:$0xC], $0x1000, $0x38;
	[tilespmem:$0x15400] =	vst v63  }
0x8b: {  	s6 =	simm.s32 @!p0 $0xC  }
0x8c: {  	_ =	swait.ge @!p0 [sflag:s6], $0x1000  }
0x8d: {  	[sflag:s6] =	ssyncset.done @!p0 $0x0  }
0x8e: {  	[sflag:s6] =	ssyncadd.s32 @!p0 $0xFFFFF000;
	s6 =	sadd.s32 @!p0 $0x7580, s19  }
0x8f: {  	[tilespmem:s31], [sflag:$0x4] =	stream.indirect.gather @!p0 [hbm4b:s4+s5], $0x20, s6, s5, $0xb8;
	[tilespmem:$0x15400] =	vst v63  }
0x90: {  	_ =	swait.ge [sflag:s30], $0x1000  }
0x91: {  	[sflag:s30] =	ssyncset.done $0x0  }
0x92: {  	s6 =	sadd.s32 s8, s18;
	s31 =	simm.s32 $0x11400;
	[sflag:s30] =	ssyncadd.s32 $0xFFFFF000  }
0x93: {  	[hbm4b:s6+s3] =	stream.linear.scatter [tilespmem:s31], [sflag:$0xD], $0x1000, $0x38;
	[tilespmem:$0x15400] =	vst v63  }
0x94: {  	s6 =	simm.s32 @p0 $0x6  }
0x95: {  	_ =	swait.ge @p0 [sflag:s6], $0x1000  }
0x96: {  	[sflag:s6] =	ssyncset.done @p0 $0x0  }
0x97: {  	s31 =	rddreg [dreg:$0x4];
	[sflag:s6] =	ssyncadd.s32 @p0 $0xFFFFF000;
	s6 =	simm.s32 @p0 $0x12400  }
0x98: {  	[hbm4b:s31+s22] =	stream.linear.scatter @p0 [tilespmem:s6], [sflag:$0xE], $0x1000, $0x38;
	[tilespmem:$0x15400] =	vst v63  }
0x99: {  	s6 =	simm.s32 @!p0 $0xD  }
0x9a: {  	_ =	swait.ge @!p0 [sflag:s6], $0x1000  }
0x9b: {  	[sflag:s6] =	ssyncset.done @!p0 $0x0  }
0x9c: {  	s22 =	simm.s32 @!p0 $0x11400;
	[sflag:s6] =	ssyncadd.s32 @!p0 $0xFFFFF000;
	s6 =	sadd.s32 @!p0 $0x7600, s19  }
0x9d: {  	[tilespmem:s22], [sflag:$0x5] =	stream.indirect.gather @!p0 [hbm4b:s4+s5], $0x20, s6, s5, $0xb8;
	[tilespmem:$0x15400] =	vst v63  }
0x9e: {  	s6 =	simm.s32 @!p0 $0x6  }
0x9f: {  	_ =	swait.ge @!p0 [sflag:s6], $0x1000  }
0xa0: {  	[sflag:s6] =	ssyncset.done @!p0 $0x0  }
0xa1: {  	s22 =	simm.s32 @!p0 $0x12400;
	[sflag:s6] =	ssyncadd.s32 @!p0 $0xFFFFF000;
	s6 =	sadd.s32 @!p0 s8, s17  }
0xa2: {  	[hbm4b:s6+s26] =	stream.linear.scatter @!p0 [tilespmem:s22], [sflag:$0xE], $0x1000, $0x38;
	[tilespmem:$0x15400] =	vst v63  }
0xa3: {  	s6 =	simm.s32 @!p0 $0xE  }
0xa4: {  	_ =	swait.ge @!p0 [sflag:s6], $0x1000  }
0xa5: {  	[sflag:s6] =	ssyncset.done @!p0 $0x0  }
0xa6: {  	[sflag:s6] =	ssyncadd.s32 @!p0 $0xFFFFF000;
	s6 =	sadd.s32 @!p0 $0x7680, s19  }
0xa7: {  	[tilespmem:s22], [sflag:$0x6] =	stream.indirect.gather @!p0 [hbm4b:s4+s5], $0x20, s6, s5, $0xb8;
	[tilespmem:$0x15400] =	vst v63  }
.Ltmp3:
0xa8: {  	_ = 	snop;
	(pc) =	sbr.rel @p0 .LBB2_6-.Ltmp3, $4  }
0xa9: {  	_ =	swait.ge [sflag:s1], $0x1000  }
0xaa: {  	[sflag:s1] =	ssyncset.done $0x0  }
0xab: {  	s31 =	sadd.s32 s8, s16;
	[sflag:s1] =	ssyncadd.s32 $0xFFFFF000  }
0xac: {  	[hbm4b:s31+s3] =	stream.linear.scatter [tilespmem:s23], [sflag:$0xF], $0x1000, $0x38;
	[tilespmem:$0x15400] =	vst v63  }
0xad: {  	_ =	swait.ge [sflag:s2], $0x1000  }
0xae: {  	s5 =	sshra.s32 s7, $0x2;
	[sflag:s2] =	ssyncset.done $0x0  }
0xaf: {  	s6 =	sadd.s32 $0x7700, s5;
	[sflag:s2] =	ssyncadd.s32 $0xFFFFF000  }
0xb0: {  	[tilespmem:s23], [sflag:$0x7] =	stream.indirect.gather [hbm4b:s4+s21], $0x20, s6, s21, $0xb8;
	[tilespmem:$0x15400] =	vst v63  }
0xb1: {  	_ =	swait.ge [sflag:s0], $0x1000  }
0xb2: {  	[sflag:s0] =	ssyncset.done $0x0  }
0xb3: {  	s31 =	sadd.s32 s8, s15;
	[sflag:s0] =	ssyncadd.s32 $0xFFFFF000  }
0xb4: {  	[hbm4b:s31+s3] =	stream.linear.scatter [tilespmem:s25], [sflag:$0x10], $0x1000, $0x38;
	[tilespmem:$0x15400] =	vst v63  }
.Ltmp4:
0xb5: {  	_ = 	snop;
	(pc) =	sbr.rel .LBB2_4-.Ltmp4, $4  }
0xb6: {  	_ =	swait.ge [sflag:s24], $0x1000  }
0xb7: {  	s7 =	sadd.s32 $0x1000, s7;
	[sflag:s24] =	ssyncset.done $0x0  }
0xb8: {  	s8 =	sadd.s32 $0x20000, s8;
	s5 =	sadd.s32 $0x7780, s5;
	[sflag:s24] =	ssyncadd.s32 $0xFFFFF000  }
0xb9: {  	[tilespmem:s25], [sflag:$0x8] =	stream.indirect.gather [hbm4b:s4+s21], $0x20, s5, s21, $0xb8;
	[tilespmem:$0x15400] =	vst v63  }
.LBB2_7:
0xba: {  	_ =	sfence.sel $0x180000  }
0xbb: {  	[bflag:$0x0] =	sbarrier.arrive $0xFFFF  }
0xbc: {  	_ =	strace $0x90000047  }
0xbd: {  	s0 =	stileid.u32;
	[bflag:$0x2] =	sbarrier.arrive $0xFFFF  }
0xbe: {  	p0 =	sne.s32 s0, $0x0;
	s0 =	rddreg [dreg:$0x2]  }
0xbf: {  	s0 =	sadd.s32 @!p0 $0x100000, s0  }
0xc0: {  	[sflag:s0] =	ssyncadd.tile.s32 @!p0 $0x1;
	_ =	shalt  }
.Lfunc_end2:
_tile_overlayer_lowered:
.L_overlay_start_2:
0xc1: {  	(tag) =	ssettag $0x2  }
0xc2: {  	s0 =	rddreg [dreg:$0x0];
	s2 =	stileid.u32  }
0xc3: {  	s1 =	rddreg [dreg:$0x1];
	p0 =	sne.s32 s2, $0x0  }
0xc4: {  	s3 =	rddreg [dreg:$0x2];
	[bflag:$0x3] =	sbarrier.arrive $0xFFFF;
	s2 =	simm.s32 @!p0 $0x1C11  }
0xc5: {  	[timem:s3], [sflag:s2] =	dma.local @!p0 [hbm:s0], s1  }
0xc6: {  	s0 =	simm.s32 @!p0 $0x11  }
0xc7: {  	_ =	swait.ge @!p0 [sflag:s0], s1  }
0xc8: {  	s1 =	ssub.s32 @!p0 $0x0, s1;
	[sflag:s0] =	ssyncset.done @!p0 $0x0  }
0xc9: {  	[sflag:s0] =	ssyncadd.s32 @!p0 s1  }
0xca: {  	[bflag:$0x3] =	sbarrier.arrive $0xFFFF  }
0xcb: {  	_ =	shalt  }

// kernel: sparse-core-data-format-call.cloned.1.call-start
scs
called_computation_lowered:
.L_overlay_start_0:
0x0: {  	s2 =	sld [smem:$0x3FD9]  }
0x1: {  	s3 =	sld [smem:$0x3FFE];
	_ =	sdelay $0x1  }
0x2: {  	s1 =	srdreg.scid  }
0x3: {  	s0 =	sand.u32 $0x1, s1  }
0x4: {  	s18 =	sshll.u32 s0, $0xA;
	s2 =	sadd.s32 s3, s2  }
0x5: {  	s2 =	sadd.s32 s2, s18  }
0x6: {  	[smem:$0x3FC6] =	sst s2  }
0x7: {  	_ = 	snop  }
0x8: {  	s2 =	sld [smem:$0x3FD0];
	(tm) =	ssettm $0x1  }
0x9: {  	s19 =	sld [smem:$0x3FFB];
	_ =	sdelay $0x3  }
0xa: {  	_ =	strace s19  }
0xb: {  	s3 =	sld [smem:$0x3FFC];
	_ =	sdelay $0x3  }
0xc: {  	_ =	strace s3  }
0xd: {  	s3 =	sld [smem:$0x3FFD];
	_ =	sdelay $0x3  }
0xe: {  	_ =	strace s3  }
0xf: {  	_ =	strace $0x8FFFFFFF  }
0x10: {  	s20 =	sld [smem:$0x3FDB];
	_ =	sdelay $0x1  }
0x11: {  	s4 =	simm.s32 $_scs_section_size  }
0x12: {  	s5 =	simm.s32 $_size__tile_overlayer_lowered;
	s6 =	simm.s32 $_tile_overlayer_lowered  }
0x13: {  	s23 =	simm.s32 $0x1BFF;
	s22 =	sshll.u32 s6, $0x1;
	s3 =	sadd.s32 s4, s20  }
0x14: {  	s7 =	simm.s32 $0x0;
	s21 =	sshll.u32 s5, $0x1;
	s5 =	sadd.s32 s22, s3  }
0x15: {  	[timem:s7], [sflag:s23] =	dma.local [hbm:s5], s21  }
0x16: {  	_ =	swait.ge [sflag:s23], s21  }
0x17: {  	s4 =	ssub.s32 $0x0, s21;
	[sflag:s23] =	ssyncset.done $0x0  }
0x18: {  	[sflag:s23] =	ssyncadd.s32 s4;
	_ =	sdelay $0x1  }
0x19: {  	s24 =	simm.s32 $0x1B8B  }
0x1a: {  	_ =	swait.ge [sflag:s24], $0x1  }
0x1b: {  	[sflag:s24] =	ssyncset.done $0x0  }
0x1c: {  	s26 =	simm.s32 $0x1B8E;
	s25 =	sld [smem:$0x3FFE];
	[sflag:s24] =	ssyncadd.s32 $0xFFFFFFFF  }
0x1d: {  	s27 =	simm.s32 $execute0_lowered;
	[smem:$0x3FD2] =	sst s26  }
0x1e: {  	s5 =	sshll.u32 s27, $0x1;
	_ =	strace $0x80000049;
	[dreg:$0x1] =	wrdreg $0xFFFFFFFF  }
0x1f: {  	s28 =	simm.s32 $_size_execute0_lowered;
	s3 =	sadd.s32 s3, s5;
	[dreg:$0x0] =	wrdreg $0x0  }
0x20: {  	s5 =	sshll.u32 s28, $0x1;
	[dreg:$0x2] =	wrdreg s3  }
0x21: {  	[dreg:$0x3] =	wrdreg s5  }
0x22: {  	[dreg:$0x4] =	wrdreg $0xC0  }
0x23: {  	_ =	task [dreg:s7], $0x5FFFF  }
0x24: {  	[dreg:$0x1] =	wrdreg $0xFFFFFFFF  }
0x25: {  	[dreg:$0x0] =	wrdreg $0x60  }
0x26: {  	[dreg:$0x2] =	wrdreg s25  }
0x27: {  	[dreg:$0x3] =	wrdreg s2  }
0x28: {  	[dreg:$0x4] =	wrdreg $0x9  }
0x29: {  	_ =	task.clear_ibuf [dreg:s7], $0x5FFFF;
	_ =	strace $0x90000049  }
0x2a: {  	s29 =	simm.s32 $0x9;
	_ =	strace $0x8000004B  }
0x2b: {  	_ =	swait.ge [sflag:s29], $0x1  }
0x2c: {  	[sflag:s29] =	ssyncadd.s32 $0xFFFFFFFF  }
0x2d: {  	_ =	strace $0x9000004B  }
0x2e: {  	_ =	sfence  }
0x2f: {  	s30 =	sld [smem:$0x0];
	_ =	sdelay $0x2  }
0x30: {  	s31 =	sshll.u32 s1, $0xD;
	s1 =	sshrl.u32 s1, $0x2  }
0x31: {  	s3 =	sand.u32 $0x4000, s31;
	s1 =	sadd.s32 s1, s30  }
0x32: {  	s0 =	sor.u32 s3, s0;
	s1 =	sshll.u32 s1, $0x11  }
0x33: {  	s0 =	sor.u32 s1, s0  }
0x34: {  	s0 =	sadd.s32 $0x8F2B, s0  }
0x35: {  	[sflag:s0] =	ssyncadd.remote.s32 $0x1  }
0x36: {  	_ =	sfence.sel $0xFFFF  }
0x37: {  	[dreg:$0x0] =	wrdreg $0xFFFFFFFF;
	(pc) =	sbr.abs _section_cstart, $3  }
0x38: {  	[dreg:$0x1] =	wrdreg $0xFFFFFFFF  }
0x39: {  	_ =	task.clear_ibuf [dreg:s7], $0x2FFFF;
	_ =	strace $0x9FFFFFFF  }
0x3a: {  	(tm) =	ssettm $0x7FFFFFFF  }
0x3b: {  	_ =	shalt  }
tec
execute0_lowered:
.L_overlay_start_1:
0x0: {  	(tag) =	ssettag $0x1  }
0x1: {  	s0 =	srdreg.scid  }
0x2: {  	s1 =	sshll.u32 s0, $0x4  }
0x3: {  	s0 =	stileid.u32;
	s1 =	sand.u32 $0x10, s1  }
0x4: {  	s7 =	rddreg [dreg:$0x0];
	s1 =	sor.u32 s0, s1  }
0x5: {  	s4 =	simm.s32 $0x1;
	s8 =	simm.s32 $0x2;
	s2 =	sshll.u32 s1, $0x7  }
0x6: {  	s13 =	simm.s32 $0x0;
	s9 =	simm.s32 $0x20000;
	s1 =	ssub.s32 $0x4000, s2  }
0x7: {  	s14 =	simm.s32 $0x0;
	s11 =	simm.s32 $0x0;
	s3 =	sand.u32 $0xF80, s1  }
0x8: {  	s12 =	simm.s32 $0x0;
	s5 =	sshrl.u32 s1, $0xC;
	p0 =	sne.s32 s3, $0x0  }
.Ltmp0:
0x9: {  	s1 =	rddreg [dreg:$0x2];
	s4 =	simm.s32 @!p0 $0x0;
	(pc) =	sbr.rel .LBB1_1-.Ltmp0, $4  }
0xa: {  	s6 =	sadd.s32 $0xA00, s7;
	s3 =	rddreg [dreg:$0x1];
	s5 =	sadd.s32 s4, s5  }
0xb: {  	_ =	strace $0x8000004A;
	s4 =	simm.s32 $0x1;
	s5 =	smul.u32 $0x19, s5  }
0xc: {  	s7 =	sadd.s32 $0x40A00, s7;
	s10 =	smov.u32 s2;
	[sflag:s4] =	ssyncpa.u1 $0x0  }
0xd: {  	p0 =	por $0x0, $0x0;
	[sflag:s8] =	ssyncpa.u1 $0x0;
	s8 =	sadd.s32 $0x1, s5  }
.LBB1_7:
0xe: {  	s15 =	sadd.s32 $0x1000, s10  }
0xf: {  	s13 =	sadd.s32 $0x2, s11;
	s17 =	smov.u32 s11;
	p2 =	sgt.s32 s15, $0x3FFF  }
0x10: {  	s17 =	smov.u32 @p2 s13  }
0x11: {  	s15 =	smov.u32 @p2 s2;
	p2 =	sgt.s32 s17, $0x31  }
0x12: {  	s17 =	simm.s32 @p2 $0x0;
	p2 =	sne.s32 s12, s8  }
.Ltmp1:
0x13: {  	p1 =	slt.u32 s12, $0x2;
	(pc) =	sbr.rel @!p2 .LBB1_8-.Ltmp1, $4  }
0x14: {  	s16 =	simm.s32 @!p1 $0x2  }
0x15: {  	s14 =	smov.u32 s11;
	p0 =	por !p0, !p0;
	_ =	swait.ge @!p1 [sflag:s16], $0x2000  }
0x16: {  	s13 =	smov.u32 s10;
	[sflag:s16] =	ssyncset.done @!p1 $0x0;
	s10 =	smov.u32 s15  }
0x17: {  	s12 =	sadd.s32 $0x1, s12;
	[sflag:s16] =	ssyncadd.s32 @!p1 $0xFFFFE000;
	s11 =	smov.u32 s17  }
.LBB1_1:
0x18: {  	p1 =	sge.u32 s12, s5  }
0x19: {  	s15 =	sxor.u32 @!p1 $0xFFFFFFFF, s12;
	s16 =	sshll.u32 @!p1 s11, $0x12  }
0x1a: {  	s17 =	sshll.u32 @!p1 s10, $0x4;
	s19 =	simm.s32 @!p1 $0x20;
	s20 =	simm.s32 @!p1 $0x80  }
0x1b: {  	s15 =	sshll.u32 @!p1 s15, $0xD;
	s17 =	sand.u32 @!p1 $0x3FFF0, s17;
	s18 =	sadd.s32 @!p1 s6, s16  }
0x1c: {  	s16 =	sadd.s32 @!p1 s16, s7;
	s15 =	sand.u32 @!p1 $0x2000, s15;
	s18 =	sadd.s32 @!p1 s17, s18  }
0x1d: {  	[tilespmem:s15], [sflag:$0x1] =	stream.strided.gather @!p1 [hbm4b:s18+s19], $0x1000, s20, s19, $0x38;
	[tilespmem:$0x8080] =	vst v63  }
0x1e: {  	s31 =	sadd.s32 $0xFFFFFFFF, s12;
	s16 =	sadd.s32 @!p1 s17, s16;
	s15 =	sor.u32 @!p1 $0x1000, s15  }
0x1f: {  	[tilespmem:s15], [sflag:$0x1] =	stream.strided.gather @!p1 [hbm4b:s16+s19], $0x1000, s20, s19, $0x38;
	[tilespmem:$0x8080] =	vst v63  }
0x20: {  	p1 =	sge.u32 s31, s5  }
.Ltmp2:
0x21: {  	_ = 	snop;
	(pc) =	sbr.rel @p1 .LBB1_7-.Ltmp2, $1  }
0x22: {  	_ =	sdelay $0x3  }
0x23: {  	s15 =	simm.s32 $0x1;
	s17 =	sand.u32 $0x1, s12  }
0x24: {  	_ =	swait.ge [sflag:s4], $0x2000;
	s15 =	simm.s32 @!p0 $0x0;
	s17 =	smul.u32 $0x8100, s17  }
0x25: {  	p2 =	por $0x1, $0x1;
	[sflag:s4] =	ssyncset.done $0x0;
	s16 =	smul.u32 $0x8100, s15  }
0x26: {  	s18 =	sshll.u32 s15, $0xF;
	[sflag:s4] =	ssyncadd.s32 $0xFFFFE000;
	s30 =	sshrl.u32 s17, $0x2  }
0x27: {  	s31 =	sshrl.u32 s18, $0x2;
	s18 =	simm.s32 $0x0;
	s16 =	sshrl.u32 s16, $0x2  }
0x28: {  	s15 =	sor.u32 $0x4000, s30;
	s17 =	sadd.s32 $0x10, s31;
	s16 =	sor.u32 $0x4000, s16  }
.LBB1_3:
0x29: {  	s19 =	sshll.u32 s18, $0xC  }
0x2a: {  	s19 =	sand.u32 $0x3FFFF000, s19  }
0x2b: {  	s20 =	sadd.s32 s19, s17  }
0x2c: {  	s31 =	smul.u32 $0x4080, s18;
	v1 =	vld [tilespmem:s20+$0x0]  }
0x2d: {  	v0 =	vld [tilespmem:s20+$0xFFFFFFF0]  }
0x2e: {  	s18 =	sshra.s32 s31, $0x2  }
0x2f: {  	s18 =	sadd.s32 s18, s16  }
0x30: {  	s21 =	sadd.s32 $0x0, s18  }
0x31: {  	p1 =	por p2, p2;
	s19 =	simm.s32 $0x4;
	s20 =	sadd.s32 $0x20, s20;
	[tilespmem:s21+$0x810 ss:$0x81] =	vst.msk $0xffff, v1  }
.LBB1_4:
0x32: {  	v1 =	vld [tilespmem:s20+$0x0];
	p2 =	sne.s32 s19, $0x1FC;
	[tilespmem:s21+$0x0 ss:$0x81] =	vst.msk $0xffff, v0;
	s21 =	smov.u32 s19;
	s19 =	sadd.s32 $0x4, s19  }
.Ltmp3:
0x33: {  	v0 =	vld [tilespmem:s20+$0xFFFFFFF0];
	(pc) =	sbr.rel @p2 .LBB1_4-.Ltmp3, $4  }
0x34: {  	_ = 	snop  }
0x35: {  	s21 =	sshra.s32 s21, $0x2  }
0x36: {  	s21 =	sadd.s32 s21, s18  }
0x37: {  	s20 =	sadd.s32 $0x20, s20;
	[tilespmem:s21+$0x810 ss:$0x81] =	vst.msk $0xffff, v1  }
.Ltmp4:
0x38: {  	(pc) =	sbr.rel @p1 .LBB1_3-.Ltmp4, $2  }
0x39: {  	_ =	sdelay $0x2  }
0x3a: {  	[tilespmem:s21+$0x0 ss:$0x81] =	vst.msk $0xffff, v0;
	s18 =	simm.s32 $0x1;
	p2 =	por $0x0, $0x0  }
0x3b: {  	s16 =	sshll.u32 s13, $0x3;
	s17 =	sand.u32 $0x78, s13;
	s14 =	sshll.u32 s14, $0x10  }
.Ltmp5:
0x3c: {  	s30 =	sand.u32 $0xF800, s13;
	s16 =	sand.u32 $0x3C00, s16;
	(pc) =	sbr.rel .LBB1_7-.Ltmp5, $4  }
0x3d: {  	s31 =	sand.u32 $0x7, s13;
	s14 =	sadd.s32 s3, s14;
	s16 =	sor.u32 s17, s16  }
0x3e: {  	s13 =	sshll.u32 s31, $0x12;
	s14 =	sadd.s32 s30, s14;
	s16 =	sshrl.u32 s16, $0x3  }
0x3f: {  	s13 =	sor.u32 $0x400, s13;
	s14 =	sadd.s32 s16, s14  }
0x40: {  	[hbm4b:s14+s13] =	stream.strided.scatter [tilespmem:s15], [sflag:$0x2], $0x2000, s9, s13, $0x20;
	[tilespmem:$0x8080] =	vst v63  }
.LBB1_8:
0x41: {  	_ =	sfence.sel $0x180000  }
0x42: {  	s2 =	simm.s32 $0x1;
	[bflag:$0x0] =	sbarrier.arrive $0xFFFF  }
0x43: {  	s31 =	simm.s32 $0x2;
	[sflag:s2] =	ssyncpa.u1 $0x1  }
0x44: {  	[sflag:s31] =	ssyncpa.u1 $0x1  }
0x45: {  	p0 =	sne.s32 s0, $0x0;
	_ =	strace $0x9000004A  }
0x46: {  	s0 =	sadd.s32 @!p0 $0x100000, s1;
	[bflag:$0x2] =	sbarrier.arrive $0xFFFF  }
0x47: {  	[sflag:s0] =	ssyncadd.tile.s32 @!p0 $0x1;
	_ =	shalt  }
.Lfunc_end1:
_tile_overlayer_lowered:
.L_overlay_start_2:
0x48: {  	(tag) =	ssettag $0x2  }
0x49: {  	s0 =	rddreg [dreg:$0x0];
	s2 =	stileid.u32  }
0x4a: {  	s1 =	rddreg [dreg:$0x1];
	p0 =	sne.s32 s2, $0x0  }
0x4b: {  	s3 =	rddreg [dreg:$0x2];
	[bflag:$0x3] =	sbarrier.arrive $0xFFFF;
	s2 =	simm.s32 @!p0 $0x1C01  }
0x4c: {  	[timem:s3], [sflag:s2] =	dma.local @!p0 [hbm:s0], s1  }
0x4d: {  	s0 =	simm.s32 @!p0 $0x1  }
0x4e: {  	_ =	swait.ge @!p0 [sflag:s0], s1  }
0x4f: {  	s1 =	ssub.s32 @!p0 $0x0, s1;
	[sflag:s0] =	ssyncset.done @!p0 $0x0  }
0x50: {  	[sflag:s0] =	ssyncadd.s32 @!p0 s1  }
0x51: {  	[bflag:$0x3] =	sbarrier.arrive $0xFFFF  }
0x52: {  	_ =	shalt  }

</sc_bundles>
